<compile_context>
chip_gen: v7x
topology: tpu7x:2x2x1
jax: 0.10.2.dev20260603
libtpu: 0.0.44.dev20260713+nightly
codegen_flags: <defaults>
</compile_context>

<pallas_src>
import functools

import jax
import jax.numpy as jnp
from jax import lax
from jax.experimental import pallas as pl
from jax.experimental.pallas import tpu as pltpu
from jax.experimental.pallas import tpu_sc as plsc

_NC = 2
_NS = 16
_NW = _NC * _NS


def _mesh():
    return plsc.VectorSubcoreMesh(
        core_axis_name="c", subcore_axis_name="s", num_cores=_NC,
        num_subcores=_NS)


def _make_gather(n_rows, d, b, c_pad, chunk, nbuf):
    b_per_w = b // _NW
    nch = b_per_w // chunk

    @functools.partial(
        pl.kernel,
        mesh=_mesh(),
        out_type=(
            jax.ShapeDtypeStruct((b, d), jnp.float32),
            jax.ShapeDtypeStruct((b, c_pad), jnp.float32),
        ),
        scratch_types=[
            pltpu.VMEM((b_per_w,), jnp.int32),
            pltpu.VMEM((nbuf, chunk, d), jnp.float32),
            pltpu.VMEM((b_per_w, c_pad), jnp.float32),
        ]
        + [pltpu.SemaphoreType.DMA] * (2 * nbuf + 1),
    )
    def gather_kernel(spec_hbm, coords_hbm, idx_hbm, out_hbm, lab_hbm,
                      idx_v, rows_v, crows_v, *sems):
        gsems = sems[:nbuf]
        ssems = sems[nbuf:2 * nbuf]
        csem = sems[2 * nbuf]
        wid = lax.axis_index("s") * _NC + lax.axis_index("c")
        base = wid * b_per_w

        pltpu.sync_copy(idx_hbm.at[pl.ds(base, b_per_w)], idx_v)

        cop = pltpu.async_copy(coords_hbm.at[idx_v], crows_v, csem)

        def start_gather(c):
            buf = c % nbuf
            return pltpu.async_copy(
                spec_hbm.at[idx_v.at[pl.ds(c * chunk, chunk)]],
                rows_v.at[buf], gsems[buf])

        gathers = [None] * nbuf
        for c in range(min(nbuf, nch)):
            gathers[c] = start_gather(c)
        scatters = [None] * nbuf
        for c in range(nch):
            buf = c % nbuf
            gathers[buf].wait()
            scatters[buf] = pltpu.async_copy(
                rows_v.at[buf],
                out_hbm.at[pl.ds(base + c * chunk, chunk)], ssems[buf])
            if c + nbuf < nch:
                scatters[buf].wait()
                gathers[buf] = start_gather(c + nbuf)
        for c in range(max(0, nch - nbuf), nch):
            if scatters[c % nbuf] is not None:
                scatters[c % nbuf].wait()

        cop.wait()
        pltpu.sync_copy(crows_v, lab_hbm.at[pl.ds(base, b_per_w)])

    return gather_kernel


def kernel(spectrograms, coords, indices):
    n, h, w = spectrograms.shape
    d = h * w
    b = indices.shape[0]
    c_dim = coords.shape[1]
    c_pad = 128
    coords_p = jnp.pad(coords, ((0, 0), (0, c_pad - c_dim)))
    spec2d = spectrograms.reshape(n, d)
    samples, labels = _make_gather(n, d, b, c_pad, 8, 3)(
        spec2d, coords_p, indices)
    return samples.reshape(b, 1, h, w), labels[:, :c_dim]

# --- scband reference (transcript-rebuilt; emitter-appended) ---
"""Pipeline reference for scband-spectrogram-sampler-27513560498317 (READ-ONLY COPY).

The authoritative reference and input builder live on the scoring server;
editing this copy changes nothing except your own understanding.
"""

import jax, jax.numpy as jnp
import numpy as np

N_SAMPLES = 13310
H, W = 64, 64
BATCH = 4096


def setup_inputs(seed: int = 0) -> dict:
    key = jax.random.key(seed)
    k1, k2, k3 = jax.random.split(key, 3)
    spectrograms = jax.random.normal(k1, (N_SAMPLES, H, W), dtype=jnp.float32)
    coords = jax.random.normal(k2, (N_SAMPLES, 6), dtype=jnp.float32)
    indices = jax.random.randint(k3, (BATCH,), 0, N_SAMPLES, dtype=jnp.int32)
    return {"spectrograms": spectrograms, "coords": coords, "indices": indices}


def reference(spectrograms, coords, indices):
    # Faithful translation of SpectrogramSampler.sample:
    #   samples = self.spectrograms[indices]      (gather along dim 0)
    #   labels  = self.coords[indices]            (gather along dim 0)
    #   return samples.unsqueeze(1), labels
    samples = jnp.take(spectrograms, indices, axis=0)
    labels = jnp.take(coords, indices, axis=0)
    samples = samples[:, None, :, :]  # unsqueeze(1) -> (B, 1, H, W)
    return (samples, labels)

if __name__ == "__main__":
    import jax
    _d = setup_inputs()
    print(jax.jit(kernel)(*tuple(_d.values())))

</pallas_src>

<mosaic_0001>
#map = affine_map<(d0, d1) -> (0, 0)>
#map1 = affine_map<(d0, d1) -> (0)>
module attributes {stable_mosaic.version = 14 : i64} {
  func.func @gather_kernel(%arg0: i32, %arg1: i32, %arg2: memref<13310x4096xf32, #tpu.memory_space<hbm>>, %arg3: memref<13310x128xf32, #tpu.memory_space<hbm>>, %arg4: memref<4096xi32, #tpu.memory_space<hbm>>, %arg5: memref<4096x4096xf32, #tpu.memory_space<hbm>>, %arg6: memref<4096x128xf32, #tpu.memory_space<hbm>>, %arg7: memref<128xi32, #tpu.memory_space<vmem>>, %arg8: memref<3x8x4096xf32, #tpu.memory_space<vmem>>, %arg9: memref<128x128xf32, #tpu.memory_space<vmem>>, %arg10: memref<!tpu.dma_semaphore, #tpu.memory_space<semaphore_mem>>, %arg11: memref<!tpu.dma_semaphore, #tpu.memory_space<semaphore_mem>>, %arg12: memref<!tpu.dma_semaphore, #tpu.memory_space<semaphore_mem>>, %arg13: memref<!tpu.dma_semaphore, #tpu.memory_space<semaphore_mem>>, %arg14: memref<!tpu.dma_semaphore, #tpu.memory_space<semaphore_mem>>, %arg15: memref<!tpu.dma_semaphore, #tpu.memory_space<semaphore_mem>>, %arg16: memref<!tpu.dma_semaphore, #tpu.memory_space<semaphore_mem>>) attributes {dimension_semantics = [#tpu.dimension_semantics<core_parallel>, #tpu.dimension_semantics<subcore_parallel>], iteration_bounds = array<i64: 2, 16>, scalar_prefetch = 0 : i64, scratch_operands = 10 : i64, tpu.core_type = #tpu.core_type<sc_vector_subcore>, window_params = [{transform_indices = #map}, {transform_indices = #map}, {transform_indices = #map1}, {transform_indices = #map}, {transform_indices = #map}]} {
    %mul3A = arith.constant 2 : i32
    %mul3A_0 = arith.muli %arg1, %mul3A : i32
    %add3A = arith.addi %mul3A_0, %arg0 : i32
    %mul3A_1 = arith.constant 128 : i32
    %mul3A_2 = arith.muli %add3A, %mul3A_1 : i32
    "tpu.region"() ({
      %run_scoped3A = tpu.sem_alloc : memref<!tpu.dma_semaphore, #tpu.memory_space<semaphore_mem>>
      %dma_start3A_775 = tpu.memref_slice %arg4[%mul3A_2] : memref<4096xi32, #tpu.memory_space<hbm>> -> memref<128xi32, #tpu.memory_space<hbm>>
      %dma_start3A_776 = tpu.memref_slice %arg4[%mul3A_2] : memref<4096xi32, #tpu.memory_space<hbm>> -> memref<128xi32, #tpu.memory_space<hbm>>
      tpu.enqueue_dma source(%dma_start3A_776 : memref<128xi32, #tpu.memory_space<hbm>>) target(%arg7 : memref<128xi32, #tpu.memory_space<vmem>>) target_semaphore(%run_scoped3A : memref<!tpu.dma_semaphore, #tpu.memory_space<semaphore_mem>>)
      %dma_wait3A_777 = tpu.memref_slice %arg4[%mul3A_2] : memref<4096xi32, #tpu.memory_space<hbm>> -> memref<128xi32, #tpu.memory_space<hbm>>
      %dma_wait3A_778 = tpu.memref_slice %arg4[%mul3A_2] : memref<4096xi32, #tpu.memory_space<hbm>> -> memref<128xi32, #tpu.memory_space<hbm>>
      tpu.wait_dma2 semaphore(%run_scoped3A : memref<!tpu.dma_semaphore, #tpu.memory_space<semaphore_mem>>) src(%dma_wait3A_778 : memref<128xi32, #tpu.memory_space<hbm>>) dst(%arg7 : memref<128xi32, #tpu.memory_space<vmem>>)
      tpu.yield
    }) : () -> ()
    %dma_start3A = arith.constant 0 : i32
    %dma_start3A_3 = arith.constant 0 : i32
    %dma_start3A_4 = tpu.memref_slice %arg3[%dma_start3A, %dma_start3A_3] : memref<13310x128xf32, #tpu.memory_space<hbm>> -> memref<13310x128xf32, #tpu.memory_space<hbm>>
    tpu.enqueue_indirect_dma source(%dma_start3A_4 : memref<13310x128xf32, #tpu.memory_space<hbm>>) target(%arg9 : memref<128x128xf32, #tpu.memory_space<vmem>>) offsets(%arg7 : memref<128xi32, #tpu.memory_space<vmem>>) semaphore(%arg16 : memref<!tpu.dma_semaphore, #tpu.memory_space<semaphore_mem>>)
    %dma_start3A_5 = arith.constant 0 : i32
    %dma_start3A_6 = arith.constant 0 : i32
    %dma_start3A_7 = arith.constant 0 : i32
    %dma_start3A_8 = tpu.memref_slice %arg8[%dma_start3A_5, %dma_start3A_6, %dma_start3A_7] : memref<3x8x4096xf32, #tpu.memory_space<vmem>> -> memref<1x8x4096xf32, #tpu.memory_space<vmem>>
    %dma_start3A_9 = tpu.memref_squeeze %dma_start3A_8 : memref<1x8x4096xf32, #tpu.memory_space<vmem>> -> memref<8x4096xf32, #tpu.memory_space<vmem>>
    %dma_start3A_10 = arith.constant 0 : i32
    %dma_start3A_11 = tpu.memref_slice %arg7[%dma_start3A_10] : memref<128xi32, #tpu.memory_space<vmem>> -> memref<8xi32, #tpu.memory_space<vmem>>
    %dma_start3A_12 = arith.constant 0 : i32
    %dma_start3A_13 = arith.constant 0 : i32
    %dma_start3A_14 = tpu.memref_slice %arg2[%dma_start3A_12, %dma_start3A_13] : memref<13310x4096xf32, #tpu.memory_space<hbm>> -> memref<13310x4096xf32, #tpu.memory_space<hbm>>
    tpu.enqueue_indirect_dma source(%dma_start3A_14 : memref<13310x4096xf32, #tpu.memory_space<hbm>>) target(%dma_start3A_9 : memref<8x4096xf32, #tpu.memory_space<vmem>>) offsets(%dma_start3A_11 : memref<8xi32, #tpu.memory_space<vmem>>) semaphore(%arg10 : memref<!tpu.dma_semaphore, #tpu.memory_space<semaphore_mem>>)
    %dma_start3A_15 = arith.constant 1 : i32
    %dma_start3A_16 = arith.constant 0 : i32
    %dma_start3A_17 = arith.constant 0 : i32
    %dma_start3A_18 = tpu.memref_slice %arg8[%dma_start3A_15, %dma_start3A_16, %dma_start3A_17] : memref<3x8x4096xf32, #tpu.memory_space<vmem>> -> memref<1x8x4096xf32, #tpu.memory_space<vmem>>
    %dma_start3A_19 = tpu.memref_squeeze %dma_start3A_18 : memref<1x8x4096xf32, #tpu.memory_space<vmem>> -> memref<8x4096xf32, #tpu.memory_space<vmem>>
    %dma_start3A_20 = arith.constant 8 : i32
    %dma_start3A_21 = tpu.memref_slice %arg7[%dma_start3A_20] : memref<128xi32, #tpu.memory_space<vmem>> -> memref<8xi32, #tpu.memory_space<vmem>>
    %dma_start3A_22 = arith.constant 0 : i32
    %dma_start3A_23 = arith.constant 0 : i32
    %dma_start3A_24 = tpu.memref_slice %arg2[%dma_start3A_22, %dma_start3A_23] : memref<13310x4096xf32, #tpu.memory_space<hbm>> -> memref<13310x4096xf32, #tpu.memory_space<hbm>>
    tpu.enqueue_indirect_dma source(%dma_start3A_24 : memref<13310x4096xf32, #tpu.memory_space<hbm>>) target(%dma_start3A_19 : memref<8x4096xf32, #tpu.memory_space<vmem>>) offsets(%dma_start3A_21 : memref<8xi32, #tpu.memory_space<vmem>>) semaphore(%arg11 : memref<!tpu.dma_semaphore, #tpu.memory_space<semaphore_mem>>)
    %dma_start3A_25 = arith.constant 2 : i32
    %dma_start3A_26 = arith.constant 0 : i32
    %dma_start3A_27 = arith.constant 0 : i32
    %dma_start3A_28 = tpu.memref_slice %arg8[%dma_start3A_25, %dma_start3A_26, %dma_start3A_27] : memref<3x8x4096xf32, #tpu.memory_space<vmem>> -> memref<1x8x4096xf32, #tpu.memory_space<vmem>>
    %dma_start3A_29 = tpu.memref_squeeze %dma_start3A_28 : memref<1x8x4096xf32, #tpu.memory_space<vmem>> -> memref<8x4096xf32, #tpu.memory_space<vmem>>
    %dma_start3A_30 = arith.constant 16 : i32
    %dma_start3A_31 = tpu.memref_slice %arg7[%dma_start3A_30] : memref<128xi32, #tpu.memory_space<vmem>> -> memref<8xi32, #tpu.memory_space<vmem>>
    %dma_start3A_32 = arith.constant 0 : i32
    %dma_start3A_33 = arith.constant 0 : i32
    %dma_start3A_34 = tpu.memref_slice %arg2[%dma_start3A_32, %dma_start3A_33] : memref<13310x4096xf32, #tpu.memory_space<hbm>> -> memref<13310x4096xf32, #tpu.memory_space<hbm>>
    tpu.enqueue_indirect_dma source(%dma_start3A_34 : memref<13310x4096xf32, #tpu.memory_space<hbm>>) target(%dma_start3A_29 : memref<8x4096xf32, #tpu.memory_space<vmem>>) offsets(%dma_start3A_31 : memref<8xi32, #tpu.memory_space<vmem>>) semaphore(%arg12 : memref<!tpu.dma_semaphore, #tpu.memory_space<semaphore_mem>>)
    %dma_wait3A = arith.constant 0 : i32
    %dma_wait3A_35 = arith.constant 0 : i32
    %dma_wait3A_36 = arith.constant 0 : i32
    %dma_wait3A_37 = tpu.memref_slice %arg8[%dma_wait3A, %dma_wait3A_35, %dma_wait3A_36] : memref<3x8x4096xf32, #tpu.memory_space<vmem>> -> memref<1x8x4096xf32, #tpu.memory_space<vmem>>
    %dma_wait3A_38 = tpu.memref_squeeze %dma_wait3A_37 : memref<1x8x4096xf32, #tpu.memory_space<vmem>> -> memref<8x4096xf32, #tpu.memory_space<vmem>>
    %dma_wait3A_39 = arith.constant 0 : i32
    %dma_wait3A_40 = tpu.memref_slice %arg7[%dma_wait3A_39] : memref<128xi32, #tpu.memory_space<vmem>> -> memref<8xi32, #tpu.memory_space<vmem>>
    %dma_wait3A_41 = arith.constant 0 : i32
    %dma_wait3A_42 = arith.constant 0 : i32
    %dma_wait3A_43 = tpu.memref_slice %arg2[%dma_wait3A_41, %dma_wait3A_42] : memref<13310x4096xf32, #tpu.memory_space<hbm>> -> memref<13310x4096xf32, #tpu.memory_space<hbm>>
    tpu.wait_indirect_dma semaphore(%arg10 : memref<!tpu.dma_semaphore, #tpu.memory_space<semaphore_mem>>) src(%dma_wait3A_43 : memref<13310x4096xf32, #tpu.memory_space<hbm>>) dst(%dma_wait3A_38 : memref<8x4096xf32, #tpu.memory_space<vmem>>)
    %add3A_44 = arith.constant 0 : i32
    %add3A_45 = arith.addi %mul3A_2, %add3A_44 : i32
    %dma_start3A_46 = arith.constant 0 : i32
    %dma_start3A_47 = arith.constant 0 : i32
    %dma_start3A_48 = arith.constant 0 : i32
    %dma_start3A_49 = tpu.memref_slice %arg8[%dma_start3A_46, %dma_start3A_47, %dma_start3A_48] : memref<3x8x4096xf32, #tpu.memory_space<vmem>> -> memref<1x8x4096xf32, #tpu.memory_space<vmem>>
    %dma_start3A_50 = tpu.memref_squeeze %dma_start3A_49 : memref<1x8x4096xf32, #tpu.memory_space<vmem>> -> memref<8x4096xf32, #tpu.memory_space<vmem>>
    %dma_start3A_51 = arith.constant 0 : i32
    %dma_start3A_52 = tpu.memref_slice %arg5[%add3A_45, %dma_start3A_51] : memref<4096x4096xf32, #tpu.memory_space<hbm>> -> memref<8x4096xf32, #tpu.memory_space<hbm>>
    %dma_start3A_53 = arith.constant 0 : i32
    %dma_start3A_54 = tpu.memref_slice %arg5[%add3A_45, %dma_start3A_53] : memref<4096x4096xf32, #tpu.memory_space<hbm>> -> memref<8x4096xf32, #tpu.memory_space<hbm>>
    %dma_start3A_55 = arith.constant 0 : i32
    %dma_start3A_56 = arith.constant 0 : i32
    %dma_start3A_57 = tpu.memref_slice %arg8[%dma_start3A_46, %dma_start3A_55, %dma_start3A_56] : memref<3x8x4096xf32, #tpu.memory_space<vmem>> -> memref<1x8x4096xf32, #tpu.memory_space<vmem>>
    %dma_start3A_58 = tpu.memref_squeeze %dma_start3A_57 : memref<1x8x4096xf32, #tpu.memory_space<vmem>> -> memref<8x4096xf32, #tpu.memory_space<vmem>>
    tpu.enqueue_dma source(%dma_start3A_58 : memref<8x4096xf32, #tpu.memory_space<vmem>>) target(%dma_start3A_54 : memref<8x4096xf32, #tpu.memory_space<hbm>>) target_semaphore(%arg13 : memref<!tpu.dma_semaphore, #tpu.memory_space<semaphore_mem>>)
    %dma_wait3A_59 = arith.constant 0 : i32
    %dma_wait3A_60 = arith.constant 0 : i32
    %dma_wait3A_61 = arith.constant 0 : i32
    %dma_wait3A_62 = tpu.memref_slice %arg8[%dma_wait3A_59, %dma_wait3A_60, %dma_wait3A_61] : memref<3x8x4096xf32, #tpu.memory_space<vmem>> -> memref<1x8x4096xf32, #tpu.memory_space<vmem>>
    %dma_wait3A_63 = tpu.memref_squeeze %dma_wait3A_62 : memref<1x8x4096xf32, #tpu.memory_space<vmem>> -> memref<8x4096xf32, #tpu.memory_space<vmem>>
    %dma_wait3A_64 = arith.constant 0 : i32
    %dma_wait3A_65 = tpu.memref_slice %arg5[%add3A_45, %dma_wait3A_64] : memref<4096x4096xf32, #tpu.memory_space<hbm>> -> memref<8x4096xf32, #tpu.memory_space<hbm>>
    %dma_wait3A_66 = arith.constant 0 : i32
    %dma_wait3A_67 = tpu.memref_slice %arg5[%add3A_45, %dma_wait3A_66] : memref<4096x4096xf32, #tpu.memory_space<hbm>> -> memref<8x4096xf32, #tpu.memory_space<hbm>>
    %dma_wait3A_68 = arith.constant 0 : i32
    %dma_wait3A_69 = arith.constant 0 : i32
    %dma_wait3A_70 = tpu.memref_slice %arg8[%dma_wait3A_59, %dma_wait3A_68, %dma_wait3A_69] : memref<3x8x4096xf32, #tpu.memory_space<vmem>> -> memref<1x8x4096xf32, #tpu.memory_space<vmem>>
    %dma_wait3A_71 = tpu.memref_squeeze %dma_wait3A_70 : memref<1x8x4096xf32, #tpu.memory_space<vmem>> -> memref<8x4096xf32, #tpu.memory_space<vmem>>
    tpu.wait_dma2 semaphore(%arg13 : memref<!tpu.dma_semaphore, #tpu.memory_space<semaphore_mem>>) src(%dma_wait3A_71 : memref<8x4096xf32, #tpu.memory_space<vmem>>) dst(%dma_wait3A_67 : memref<8x4096xf32, #tpu.memory_space<hbm>>)
    %dma_start3A_72 = arith.constant 0 : i32
    %dma_start3A_73 = arith.constant 0 : i32
    %dma_start3A_74 = arith.constant 0 : i32
    %dma_start3A_75 = tpu.memref_slice %arg8[%dma_start3A_72, %dma_start3A_73, %dma_start3A_74] : memref<3x8x4096xf32, #tpu.memory_space<vmem>> -> memref<1x8x4096xf32, #tpu.memory_space<vmem>>
    %dma_start3A_76 = tpu.memref_squeeze %dma_start3A_75 : memref<1x8x4096xf32, #tpu.memory_space<vmem>> -> memref<8x4096xf32, #tpu.memory_space<vmem>>
    %dma_start3A_77 = arith.constant 24 : i32
    %dma_start3A_78 = tpu.memref_slice %arg7[%dma_start3A_77] : memref<128xi32, #tpu.memory_space<vmem>> -> memref<8xi32, #tpu.memory_space<vmem>>
    %dma_start3A_79 = arith.constant 0 : i32
    %dma_start3A_80 = arith.constant 0 : i32
    %dma_start3A_81 = tpu.memref_slice %arg2[%dma_start3A_79, %dma_start3A_80] : memref<13310x4096xf32, #tpu.memory_space<hbm>> -> memref<13310x4096xf32, #tpu.memory_space<hbm>>
    tpu.enqueue_indirect_dma source(%dma_start3A_81 : memref<13310x4096xf32, #tpu.memory_space<hbm>>) target(%dma_start3A_76 : memref<8x4096xf32, #tpu.memory_space<vmem>>) offsets(%dma_start3A_78 : memref<8xi32, #tpu.memory_space<vmem>>) semaphore(%arg10 : memref<!tpu.dma_semaphore, #tpu.memory_space<semaphore_mem>>)
    %dma_wait3A_82 = arith.constant 1 : i32
    %dma_wait3A_83 = arith.constant 0 : i32
    %dma_wait3A_84 = arith.constant 0 : i32
    %dma_wait3A_85 = tpu.memref_slice %arg8[%dma_wait3A_82, %dma_wait3A_83, %dma_wait3A_84] : memref<3x8x4096xf32, #tpu.memory_space<vmem>> -> memref<1x8x4096xf32, #tpu.memory_space<vmem>>
    %dma_wait3A_86 = tpu.memref_squeeze %dma_wait3A_85 : memref<1x8x4096xf32, #tpu.memory_space<vmem>> -> memref<8x4096xf32, #tpu.memory_space<vmem>>
    %dma_wait3A_87 = arith.constant 8 : i32
    %dma_wait3A_88 = tpu.memref_slice %arg7[%dma_wait3A_87] : memref<128xi32, #tpu.memory_space<vmem>> -> memref<8xi32, #tpu.memory_space<vmem>>
    %dma_wait3A_89 = arith.constant 0 : i32
    %dma_wait3A_90 = arith.constant 0 : i32
    %dma_wait3A_91 = tpu.memref_slice %arg2[%dma_wait3A_89, %dma_wait3A_90] : memref<13310x4096xf32, #tpu.memory_space<hbm>> -> memref<13310x4096xf32, #tpu.memory_space<hbm>>
    tpu.wait_indirect_dma semaphore(%arg11 : memref<!tpu.dma_semaphore, #tpu.memory_space<semaphore_mem>>) src(%dma_wait3A_91 : memref<13310x4096xf32, #tpu.memory_space<hbm>>) dst(%dma_wait3A_86 : memref<8x4096xf32, #tpu.memory_space<vmem>>)
    %add3A_92 = arith.constant 8 : i32
    %add3A_93 = arith.addi %mul3A_2, %add3A_92 : i32
    %dma_start3A_94 = arith.constant 1 : i32
    %dma_start3A_95 = arith.constant 0 : i32
    %dma_start3A_96 = arith.constant 0 : i32
    %dma_start3A_97 = tpu.memref_slice %arg8[%dma_start3A_94, %dma_start3A_95, %dma_start3A_96] : memref<3x8x4096xf32, #tpu.memory_space<vmem>> -> memref<1x8x4096xf32, #tpu.memory_space<vmem>>
    %dma_start3A_98 = tpu.memref_squeeze %dma_start3A_97 : memref<1x8x4096xf32, #tpu.memory_space<vmem>> -> memref<8x4096xf32, #tpu.memory_space<vmem>>
    %dma_start3A_99 = arith.constant 0 : i32
    %dma_start3A_100 = tpu.memref_slice %arg5[%add3A_93, %dma_start3A_99] : memref<4096x4096xf32, #tpu.memory_space<hbm>> -> memref<8x4096xf32, #tpu.memory_space<hbm>>
    %dma_start3A_101 = arith.constant 0 : i32
    %dma_start3A_102 = tpu.memref_slice %arg5[%add3A_93, %dma_start3A_101] : memref<4096x4096xf32, #tpu.memory_space<hbm>> -> memref<8x4096xf32, #tpu.memory_space<hbm>>
    %dma_start3A_103 = arith.constant 0 : i32
    %dma_start3A_104 = arith.constant 0 : i32
    %dma_start3A_105 = tpu.memref_slice %arg8[%dma_start3A_94, %dma_start3A_103, %dma_start3A_104] : memref<3x8x4096xf32, #tpu.memory_space<vmem>> -> memref<1x8x4096xf32, #tpu.memory_space<vmem>>
    %dma_start3A_106 = tpu.memref_squeeze %dma_start3A_105 : memref<1x8x4096xf32, #tpu.memory_space<vmem>> -> memref<8x4096xf32, #tpu.memory_space<vmem>>
    tpu.enqueue_dma source(%dma_start3A_106 : memref<8x4096xf32, #tpu.memory_space<vmem>>) target(%dma_start3A_102 : memref<8x4096xf32, #tpu.memory_space<hbm>>) target_semaphore(%arg14 : memref<!tpu.dma_semaphore, #tpu.memory_space<semaphore_mem>>)
    %dma_wait3A_107 = arith.constant 1 : i32
    %dma_wait3A_108 = arith.constant 0 : i32
    %dma_wait3A_109 = arith.constant 0 : i32
    %dma_wait3A_110 = tpu.memref_slice %arg8[%dma_wait3A_107, %dma_wait3A_108, %dma_wait3A_109] : memref<3x8x4096xf32, #tpu.memory_space<vmem>> -> memref<1x8x4096xf32, #tpu.memory_space<vmem>>
    %dma_wait3A_111 = tpu.memref_squeeze %dma_wait3A_110 : memref<1x8x4096xf32, #tpu.memory_space<vmem>> -> memref<8x4096xf32, #tpu.memory_space<vmem>>
    %dma_wait3A_112 = arith.constant 0 : i32
    %dma_wait3A_113 = tpu.memref_slice %arg5[%add3A_93, %dma_wait3A_112] : memref<4096x4096xf32, #tpu.memory_space<hbm>> -> memref<8x4096xf32, #tpu.memory_space<hbm>>
    %dma_wait3A_114 = arith.constant 0 : i32
    %dma_wait3A_115 = tpu.memref_slice %arg5[%add3A_93, %dma_wait3A_114] : memref<4096x4096xf32, #tpu.memory_space<hbm>> -> memref<8x4096xf32, #tpu.memory_space<hbm>>
    %dma_wait3A_116 = arith.constant 0 : i32
    %dma_wait3A_117 = arith.constant 0 : i32
    %dma_wait3A_118 = tpu.memref_slice %arg8[%dma_wait3A_107, %dma_wait3A_116, %dma_wait3A_117] : memref<3x8x4096xf32, #tpu.memory_space<vmem>> -> memref<1x8x4096xf32, #tpu.memory_space<vmem>>
    %dma_wait3A_119 = tpu.memref_squeeze %dma_wait3A_118 : memref<1x8x4096xf32, #tpu.memory_space<vmem>> -> memref<8x4096xf32, #tpu.memory_space<vmem>>
    tpu.wait_dma2 semaphore(%arg14 : memref<!tpu.dma_semaphore, #tpu.memory_space<semaphore_mem>>) src(%dma_wait3A_119 : memref<8x4096xf32, #tpu.memory_space<vmem>>) dst(%dma_wait3A_115 : memref<8x4096xf32, #tpu.memory_space<hbm>>)
    %dma_start3A_120 = arith.constant 1 : i32
    %dma_start3A_121 = arith.constant 0 : i32
    %dma_start3A_122 = arith.constant 0 : i32
    %dma_start3A_123 = tpu.memref_slice %arg8[%dma_start3A_120, %dma_start3A_121, %dma_start3A_122] : memref<3x8x4096xf32, #tpu.memory_space<vmem>> -> memref<1x8x4096xf32, #tpu.memory_space<vmem>>
    %dma_start3A_124 = tpu.memref_squeeze %dma_start3A_123 : memref<1x8x4096xf32, #tpu.memory_space<vmem>> -> memref<8x4096xf32, #tpu.memory_space<vmem>>
    %dma_start3A_125 = arith.constant 32 : i32
    %dma_start3A_126 = tpu.memref_slice %arg7[%dma_start3A_125] : memref<128xi32, #tpu.memory_space<vmem>> -> memref<8xi32, #tpu.memory_space<vmem>>
    %dma_start3A_127 = arith.constant 0 : i32
    %dma_start3A_128 = arith.constant 0 : i32
    %dma_start3A_129 = tpu.memref_slice %arg2[%dma_start3A_127, %dma_start3A_128] : memref<13310x4096xf32, #tpu.memory_space<hbm>> -> memref<13310x4096xf32, #tpu.memory_space<hbm>>
    tpu.enqueue_indirect_dma source(%dma_start3A_129 : memref<13310x4096xf32, #tpu.memory_space<hbm>>) target(%dma_start3A_124 : memref<8x4096xf32, #tpu.memory_space<vmem>>) offsets(%dma_start3A_126 : memref<8xi32, #tpu.memory_space<vmem>>) semaphore(%arg11 : memref<!tpu.dma_semaphore, #tpu.memory_space<semaphore_mem>>)
    %dma_wait3A_130 = arith.constant 2 : i32
    %dma_wait3A_131 = arith.constant 0 : i32
    %dma_wait3A_132 = arith.constant 0 : i32
    %dma_wait3A_133 = tpu.memref_slice %arg8[%dma_wait3A_130, %dma_wait3A_131, %dma_wait3A_132] : memref<3x8x4096xf32, #tpu.memory_space<vmem>> -> memref<1x8x4096xf32, #tpu.memory_space<vmem>>
    %dma_wait3A_134 = tpu.memref_squeeze %dma_wait3A_133 : memref<1x8x4096xf32, #tpu.memory_space<vmem>> -> memref<8x4096xf32, #tpu.memory_space<vmem>>
    %dma_wait3A_135 = arith.constant 16 : i32
    %dma_wait3A_136 = tpu.memref_slice %arg7[%dma_wait3A_135] : memref<128xi32, #tpu.memory_space<vmem>> -> memref<8xi32, #tpu.memory_space<vmem>>
    %dma_wait3A_137 = arith.constant 0 : i32
    %dma_wait3A_138 = arith.constant 0 : i32
    %dma_wait3A_139 = tpu.memref_slice %arg2[%dma_wait3A_137, %dma_wait3A_138] : memref<13310x4096xf32, #tpu.memory_space<hbm>> -> memref<13310x4096xf32, #tpu.memory_space<hbm>>
    tpu.wait_indirect_dma semaphore(%arg12 : memref<!tpu.dma_semaphore, #tpu.memory_space<semaphore_mem>>) src(%dma_wait3A_139 : memref<13310x4096xf32, #tpu.memory_space<hbm>>) dst(%dma_wait3A_134 : memref<8x4096xf32, #tpu.memory_space<vmem>>)
    %add3A_140 = arith.constant 16 : i32
    %add3A_141 = arith.addi %mul3A_2, %add3A_140 : i32
    %dma_start3A_142 = arith.constant 2 : i32
    %dma_start3A_143 = arith.constant 0 : i32
    %dma_start3A_144 = arith.constant 0 : i32
    %dma_start3A_145 = tpu.memref_slice %arg8[%dma_start3A_142, %dma_start3A_143, %dma_start3A_144] : memref<3x8x4096xf32, #tpu.memory_space<vmem>> -> memref<1x8x4096xf32, #tpu.memory_space<vmem>>
    %dma_start3A_146 = tpu.memref_squeeze %dma_start3A_145 : memref<1x8x4096xf32, #tpu.memory_space<vmem>> -> memref<8x4096xf32, #tpu.memory_space<vmem>>
    %dma_start3A_147 = arith.constant 0 : i32
    %dma_start3A_148 = tpu.memref_slice %arg5[%add3A_141, %dma_start3A_147] : memref<4096x4096xf32, #tpu.memory_space<hbm>> -> memref<8x4096xf32, #tpu.memory_space<hbm>>
    %dma_start3A_149 = arith.constant 0 : i32
    %dma_start3A_150 = tpu.memref_slice %arg5[%add3A_141, %dma_start3A_149] : memref<4096x4096xf32, #tpu.memory_space<hbm>> -> memref<8x4096xf32, #tpu.memory_space<hbm>>
    %dma_start3A_151 = arith.constant 0 : i32
    %dma_start3A_152 = arith.constant 0 : i32
    %dma_start3A_153 = tpu.memref_slice %arg8[%dma_start3A_142, %dma_start3A_151, %dma_start3A_152] : memref<3x8x4096xf32, #tpu.memory_space<vmem>> -> memref<1x8x4096xf32, #tpu.memory_space<vmem>>
    %dma_start3A_154 = tpu.memref_squeeze %dma_start3A_153 : memref<1x8x4096xf32, #tpu.memory_space<vmem>> -> memref<8x4096xf32, #tpu.memory_space<vmem>>
    tpu.enqueue_dma source(%dma_start3A_154 : memref<8x4096xf32, #tpu.memory_space<vmem>>) target(%dma_start3A_150 : memref<8x4096xf32, #tpu.memory_space<hbm>>) target_semaphore(%arg15 : memref<!tpu.dma_semaphore, #tpu.memory_space<semaphore_mem>>)
    %dma_wait3A_155 = arith.constant 2 : i32
    %dma_wait3A_156 = arith.constant 0 : i32
    %dma_wait3A_157 = arith.constant 0 : i32
    %dma_wait3A_158 = tpu.memref_slice %arg8[%dma_wait3A_155, %dma_wait3A_156, %dma_wait3A_157] : memref<3x8x4096xf32, #tpu.memory_space<vmem>> -> memref<1x8x4096xf32, #tpu.memory_space<vmem>>
    %dma_wait3A_159 = tpu.memref_squeeze %dma_wait3A_158 : memref<1x8x4096xf32, #tpu.memory_space<vmem>> -> memref<8x4096xf32, #tpu.memory_space<vmem>>
    %dma_wait3A_160 = arith.constant 0 : i32
    %dma_wait3A_161 = tpu.memref_slice %arg5[%add3A_141, %dma_wait3A_160] : memref<4096x4096xf32, #tpu.memory_space<hbm>> -> memref<8x4096xf32, #tpu.memory_space<hbm>>
    %dma_wait3A_162 = arith.constant 0 : i32
    %dma_wait3A_163 = tpu.memref_slice %arg5[%add3A_141, %dma_wait3A_162] : memref<4096x4096xf32, #tpu.memory_space<hbm>> -> memref<8x4096xf32, #tpu.memory_space<hbm>>
    %dma_wait3A_164 = arith.constant 0 : i32
    %dma_wait3A_165 = arith.constant 0 : i32
    %dma_wait3A_166 = tpu.memref_slice %arg8[%dma_wait3A_155, %dma_wait3A_164, %dma_wait3A_165] : memref<3x8x4096xf32, #tpu.memory_space<vmem>> -> memref<1x8x4096xf32, #tpu.memory_space<vmem>>
    %dma_wait3A_167 = tpu.memref_squeeze %dma_wait3A_166 : memref<1x8x4096xf32, #tpu.memory_space<vmem>> -> memref<8x4096xf32, #tpu.memory_space<vmem>>
    tpu.wait_dma2 semaphore(%arg15 : memref<!tpu.dma_semaphore, #tpu.memory_space<semaphore_mem>>) src(%dma_wait3A_167 : memref<8x4096xf32, #tpu.memory_space<vmem>>) dst(%dma_wait3A_163 : memref<8x4096xf32, #tpu.memory_space<hbm>>)
    %dma_start3A_168 = arith.constant 2 : i32
    %dma_start3A_169 = arith.constant 0 : i32
    %dma_start3A_170 = arith.constant 0 : i32
    %dma_start3A_171 = tpu.memref_slice %arg8[%dma_start3A_168, %dma_start3A_169, %dma_start3A_170] : memref<3x8x4096xf32, #tpu.memory_space<vmem>> -> memref<1x8x4096xf32, #tpu.memory_space<vmem>>
    %dma_start3A_172 = tpu.memref_squeeze %dma_start3A_171 : memref<1x8x4096xf32, #tpu.memory_space<vmem>> -> memref<8x4096xf32, #tpu.memory_space<vmem>>
    %dma_start3A_173 = arith.constant 40 : i32
    %dma_start3A_174 = tpu.memref_slice %arg7[%dma_start3A_173] : memref<128xi32, #tpu.memory_space<vmem>> -> memref<8xi32, #tpu.memory_space<vmem>>
    %dma_start3A_175 = arith.constant 0 : i32
    %dma_start3A_176 = arith.constant 0 : i32
    %dma_start3A_177 = tpu.memref_slice %arg2[%dma_start3A_175, %dma_start3A_176] : memref<13310x4096xf32, #tpu.memory_space<hbm>> -> memref<13310x4096xf32, #tpu.memory_space<hbm>>
    tpu.enqueue_indirect_dma source(%dma_start3A_177 : memref<13310x4096xf32, #tpu.memory_space<hbm>>) target(%dma_start3A_172 : memref<8x4096xf32, #tpu.memory_space<vmem>>) offsets(%dma_start3A_174 : memref<8xi32, #tpu.memory_space<vmem>>) semaphore(%arg12 : memref<!tpu.dma_semaphore, #tpu.memory_space<semaphore_mem>>)
    %dma_wait3A_178 = arith.constant 0 : i32
    %dma_wait3A_179 = arith.constant 0 : i32
    %dma_wait3A_180 = arith.constant 0 : i32
    %dma_wait3A_181 = tpu.memref_slice %arg8[%dma_wait3A_178, %dma_wait3A_179, %dma_wait3A_180] : memref<3x8x4096xf32, #tpu.memory_space<vmem>> -> memref<1x8x4096xf32, #tpu.memory_space<vmem>>
    %dma_wait3A_182 = tpu.memref_squeeze %dma_wait3A_181 : memref<1x8x4096xf32, #tpu.memory_space<vmem>> -> memref<8x4096xf32, #tpu.memory_space<vmem>>
    %dma_wait3A_183 = arith.constant 24 : i32
    %dma_wait3A_184 = tpu.memref_slice %arg7[%dma_wait3A_183] : memref<128xi32, #tpu.memory_space<vmem>> -> memref<8xi32, #tpu.memory_space<vmem>>
    %dma_wait3A_185 = arith.constant 0 : i32
    %dma_wait3A_186 = arith.constant 0 : i32
    %dma_wait3A_187 = tpu.memref_slice %arg2[%dma_wait3A_185, %dma_wait3A_186] : memref<13310x4096xf32, #tpu.memory_space<hbm>> -> memref<13310x4096xf32, #tpu.memory_space<hbm>>
    tpu.wait_indirect_dma semaphore(%arg10 : memref<!tpu.dma_semaphore, #tpu.memory_space<semaphore_mem>>) src(%dma_wait3A_187 : memref<13310x4096xf32, #tpu.memory_space<hbm>>) dst(%dma_wait3A_182 : memref<8x4096xf32, #tpu.memory_space<vmem>>)
    %add3A_188 = arith.constant 24 : i32
    %add3A_189 = arith.addi %mul3A_2, %add3A_188 : i32
    %dma_start3A_190 = arith.constant 0 : i32
    %dma_start3A_191 = arith.constant 0 : i32
    %dma_start3A_192 = arith.constant 0 : i32
    %dma_start3A_193 = tpu.memref_slice %arg8[%dma_start3A_190, %dma_start3A_191, %dma_start3A_192] : memref<3x8x4096xf32, #tpu.memory_space<vmem>> -> memref<1x8x4096xf32, #tpu.memory_space<vmem>>
    %dma_start3A_194 = tpu.memref_squeeze %dma_start3A_193 : memref<1x8x4096xf32, #tpu.memory_space<vmem>> -> memref<8x4096xf32, #tpu.memory_space<vmem>>
    %dma_start3A_195 = arith.constant 0 : i32
    %dma_start3A_196 = tpu.memref_slice %arg5[%add3A_189, %dma_start3A_195] : memref<4096x4096xf32, #tpu.memory_space<hbm>> -> memref<8x4096xf32, #tpu.memory_space<hbm>>
    %dma_start3A_197 = arith.constant 0 : i32
    %dma_start3A_198 = tpu.memref_slice %arg5[%add3A_189, %dma_start3A_197] : memref<4096x4096xf32, #tpu.memory_space<hbm>> -> memref<8x4096xf32, #tpu.memory_space<hbm>>
    %dma_start3A_199 = arith.constant 0 : i32
    %dma_start3A_200 = arith.constant 0 : i32
    %dma_start3A_201 = tpu.memref_slice %arg8[%dma_start3A_190, %dma_start3A_199, %dma_start3A_200] : memref<3x8x4096xf32, #tpu.memory_space<vmem>> -> memref<1x8x4096xf32, #tpu.memory_space<vmem>>
    %dma_start3A_202 = tpu.memref_squeeze %dma_start3A_201 : memref<1x8x4096xf32, #tpu.memory_space<vmem>> -> memref<8x4096xf32, #tpu.memory_space<vmem>>
    tpu.enqueue_dma source(%dma_start3A_202 : memref<8x4096xf32, #tpu.memory_space<vmem>>) target(%dma_start3A_198 : memref<8x4096xf32, #tpu.memory_space<hbm>>) target_semaphore(%arg13 : memref<!tpu.dma_semaphore, #tpu.memory_space<semaphore_mem>>)
    %dma_wait3A_203 = arith.constant 0 : i32
    %dma_wait3A_204 = arith.constant 0 : i32
    %dma_wait3A_205 = arith.constant 0 : i32
    %dma_wait3A_206 = tpu.memref_slice %arg8[%dma_wait3A_203, %dma_wait3A_204, %dma_wait3A_205] : memref<3x8x4096xf32, #tpu.memory_space<vmem>> -> memref<1x8x4096xf32, #tpu.memory_space<vmem>>
    %dma_wait3A_207 = tpu.memref_squeeze %dma_wait3A_206 : memref<1x8x4096xf32, #tpu.memory_space<vmem>> -> memref<8x4096xf32, #tpu.memory_space<vmem>>
    %dma_wait3A_208 = arith.constant 0 : i32
    %dma_wait3A_209 = tpu.memref_slice %arg5[%add3A_189, %dma_wait3A_208] : memref<4096x4096xf32, #tpu.memory_space<hbm>> -> memref<8x4096xf32, #tpu.memory_space<hbm>>
    %dma_wait3A_210 = arith.constant 0 : i32
    %dma_wait3A_211 = tpu.memref_slice %arg5[%add3A_189, %dma_wait3A_210] : memref<4096x4096xf32, #tpu.memory_space<hbm>> -> memref<8x4096xf32, #tpu.memory_space<hbm>>
    %dma_wait3A_212 = arith.constant 0 : i32
    %dma_wait3A_213 = arith.constant 0 : i32
    %dma_wait3A_214 = tpu.memref_slice %arg8[%dma_wait3A_203, %dma_wait3A_212, %dma_wait3A_213] : memref<3x8x4096xf32, #tpu.memory_space<vmem>> -> memref<1x8x4096xf32, #tpu.memory_space<vmem>>
    %dma_wait3A_215 = tpu.memref_squeeze %dma_wait3A_214 : memref<1x8x4096xf32, #tpu.memory_space<vmem>> -> memref<8x4096xf32, #tpu.memory_space<vmem>>
    tpu.wait_dma2 semaphore(%arg13 : memref<!tpu.dma_semaphore, #tpu.memory_space<semaphore_mem>>) src(%dma_wait3A_215 : memref<8x4096xf32, #tpu.memory_space<vmem>>) dst(%dma_wait3A_211 : memref<8x4096xf32, #tpu.memory_space<hbm>>)
    %dma_start3A_216 = arith.constant 0 : i32
    %dma_start3A_217 = arith.constant 0 : i32
    %dma_start3A_218 = arith.constant 0 : i32
    %dma_start3A_219 = tpu.memref_slice %arg8[%dma_start3A_216, %dma_start3A_217, %dma_start3A_218] : memref<3x8x4096xf32, #tpu.memory_space<vmem>> -> memref<1x8x4096xf32, #tpu.memory_space<vmem>>
    %dma_start3A_220 = tpu.memref_squeeze %dma_start3A_219 : memref<1x8x4096xf32, #tpu.memory_space<vmem>> -> memref<8x4096xf32, #tpu.memory_space<vmem>>
    %dma_start3A_221 = arith.constant 48 : i32
    %dma_start3A_222 = tpu.memref_slice %arg7[%dma_start3A_221] : memref<128xi32, #tpu.memory_space<vmem>> -> memref<8xi32, #tpu.memory_space<vmem>>
    %dma_start3A_223 = arith.constant 0 : i32
    %dma_start3A_224 = arith.constant 0 : i32
    %dma_start3A_225 = tpu.memref_slice %arg2[%dma_start3A_223, %dma_start3A_224] : memref<13310x4096xf32, #tpu.memory_space<hbm>> -> memref<13310x4096xf32, #tpu.memory_space<hbm>>
    tpu.enqueue_indirect_dma source(%dma_start3A_225 : memref<13310x4096xf32, #tpu.memory_space<hbm>>) target(%dma_start3A_220 : memref<8x4096xf32, #tpu.memory_space<vmem>>) offsets(%dma_start3A_222 : memref<8xi32, #tpu.memory_space<vmem>>) semaphore(%arg10 : memref<!tpu.dma_semaphore, #tpu.memory_space<semaphore_mem>>)
    %dma_wait3A_226 = arith.constant 1 : i32
    %dma_wait3A_227 = arith.constant 0 : i32
    %dma_wait3A_228 = arith.constant 0 : i32
    %dma_wait3A_229 = tpu.memref_slice %arg8[%dma_wait3A_226, %dma_wait3A_227, %dma_wait3A_228] : memref<3x8x4096xf32, #tpu.memory_space<vmem>> -> memref<1x8x4096xf32, #tpu.memory_space<vmem>>
    %dma_wait3A_230 = tpu.memref_squeeze %dma_wait3A_229 : memref<1x8x4096xf32, #tpu.memory_space<vmem>> -> memref<8x4096xf32, #tpu.memory_space<vmem>>
    %dma_wait3A_231 = arith.constant 32 : i32
    %dma_wait3A_232 = tpu.memref_slice %arg7[%dma_wait3A_231] : memref<128xi32, #tpu.memory_space<vmem>> -> memref<8xi32, #tpu.memory_space<vmem>>
    %dma_wait3A_233 = arith.constant 0 : i32
    %dma_wait3A_234 = arith.constant 0 : i32
    %dma_wait3A_235 = tpu.memref_slice %arg2[%dma_wait3A_233, %dma_wait3A_234] : memref<13310x4096xf32, #tpu.memory_space<hbm>> -> memref<13310x4096xf32, #tpu.memory_space<hbm>>
    tpu.wait_indirect_dma semaphore(%arg11 : memref<!tpu.dma_semaphore, #tpu.memory_space<semaphore_mem>>) src(%dma_wait3A_235 : memref<13310x4096xf32, #tpu.memory_space<hbm>>) dst(%dma_wait3A_230 : memref<8x4096xf32, #tpu.memory_space<vmem>>)
    %add3A_236 = arith.constant 32 : i32
    %add3A_237 = arith.addi %mul3A_2, %add3A_236 : i32
    %dma_start3A_238 = arith.constant 1 : i32
    %dma_start3A_239 = arith.constant 0 : i32
    %dma_start3A_240 = arith.constant 0 : i32
    %dma_start3A_241 = tpu.memref_slice %arg8[%dma_start3A_238, %dma_start3A_239, %dma_start3A_240] : memref<3x8x4096xf32, #tpu.memory_space<vmem>> -> memref<1x8x4096xf32, #tpu.memory_space<vmem>>
    %dma_start3A_242 = tpu.memref_squeeze %dma_start3A_241 : memref<1x8x4096xf32, #tpu.memory_space<vmem>> -> memref<8x4096xf32, #tpu.memory_space<vmem>>
    %dma_start3A_243 = arith.constant 0 : i32
    %dma_start3A_244 = tpu.memref_slice %arg5[%add3A_237, %dma_start3A_243] : memref<4096x4096xf32, #tpu.memory_space<hbm>> -> memref<8x4096xf32, #tpu.memory_space<hbm>>
    %dma_start3A_245 = arith.constant 0 : i32
    %dma_start3A_246 = tpu.memref_slice %arg5[%add3A_237, %dma_start3A_245] : memref<4096x4096xf32, #tpu.memory_space<hbm>> -> memref<8x4096xf32, #tpu.memory_space<hbm>>
    %dma_start3A_247 = arith.constant 0 : i32
    %dma_start3A_248 = arith.constant 0 : i32
    %dma_start3A_249 = tpu.memref_slice %arg8[%dma_start3A_238, %dma_start3A_247, %dma_start3A_248] : memref<3x8x4096xf32, #tpu.memory_space<vmem>> -> memref<1x8x4096xf32, #tpu.memory_space<vmem>>
    %dma_start3A_250 = tpu.memref_squeeze %dma_start3A_249 : memref<1x8x4096xf32, #tpu.memory_space<vmem>> -> memref<8x4096xf32, #tpu.memory_space<vmem>>
    tpu.enqueue_dma source(%dma_start3A_250 : memref<8x4096xf32, #tpu.memory_space<vmem>>) target(%dma_start3A_246 : memref<8x4096xf32, #tpu.memory_space<hbm>>) target_semaphore(%arg14 : memref<!tpu.dma_semaphore, #tpu.memory_space<semaphore_mem>>)
    %dma_wait3A_251 = arith.constant 1 : i32
    %dma_wait3A_252 = arith.constant 0 : i32
    %dma_wait3A_253 = arith.constant 0 : i32
    %dma_wait3A_254 = tpu.memref_slice %arg8[%dma_wait3A_251, %dma_wait3A_252, %dma_wait3A_253] : memref<3x8x4096xf32, #tpu.memory_space<vmem>> -> memref<1x8x4096xf32, #tpu.memory_space<vmem>>
    %dma_wait3A_255 = tpu.memref_squeeze %dma_wait3A_254 : memref<1x8x4096xf32, #tpu.memory_space<vmem>> -> memref<8x4096xf32, #tpu.memory_space<vmem>>
    %dma_wait3A_256 = arith.constant 0 : i32
    %dma_wait3A_257 = tpu.memref_slice %arg5[%add3A_237, %dma_wait3A_256] : memref<4096x4096xf32, #tpu.memory_space<hbm>> -> memref<8x4096xf32, #tpu.memory_space<hbm>>
    %dma_wait3A_258 = arith.constant 0 : i32
    %dma_wait3A_259 = tpu.memref_slice %arg5[%add3A_237, %dma_wait3A_258] : memref<4096x4096xf32, #tpu.memory_space<hbm>> -> memref<8x4096xf32, #tpu.memory_space<hbm>>
    %dma_wait3A_260 = arith.constant 0 : i32
    %dma_wait3A_261 = arith.constant 0 : i32
    %dma_wait3A_262 = tpu.memref_slice %arg8[%dma_wait3A_251, %dma_wait3A_260, %dma_wait3A_261] : memref<3x8x4096xf32, #tpu.memory_space<vmem>> -> memref<1x8x4096xf32, #tpu.memory_space<vmem>>
    %dma_wait3A_263 = tpu.memref_squeeze %dma_wait3A_262 : memref<1x8x4096xf32, #tpu.memory_space<vmem>> -> memref<8x4096xf32, #tpu.memory_space<vmem>>
    tpu.wait_dma2 semaphore(%arg14 : memref<!tpu.dma_semaphore, #tpu.memory_space<semaphore_mem>>) src(%dma_wait3A_263 : memref<8x4096xf32, #tpu.memory_space<vmem>>) dst(%dma_wait3A_259 : memref<8x4096xf32, #tpu.memory_space<hbm>>)
    %dma_start3A_264 = arith.constant 1 : i32
    %dma_start3A_265 = arith.constant 0 : i32
    %dma_start3A_266 = arith.constant 0 : i32
    %dma_start3A_267 = tpu.memref_slice %arg8[%dma_start3A_264, %dma_start3A_265, %dma_start3A_266] : memref<3x8x4096xf32, #tpu.memory_space<vmem>> -> memref<1x8x4096xf32, #tpu.memory_space<vmem>>
    %dma_start3A_268 = tpu.memref_squeeze %dma_start3A_267 : memref<1x8x4096xf32, #tpu.memory_space<vmem>> -> memref<8x4096xf32, #tpu.memory_space<vmem>>
    %dma_start3A_269 = arith.constant 56 : i32
    %dma_start3A_270 = tpu.memref_slice %arg7[%dma_start3A_269] : memref<128xi32, #tpu.memory_space<vmem>> -> memref<8xi32, #tpu.memory_space<vmem>>
    %dma_start3A_271 = arith.constant 0 : i32
    %dma_start3A_272 = arith.constant 0 : i32
    %dma_start3A_273 = tpu.memref_slice %arg2[%dma_start3A_271, %dma_start3A_272] : memref<13310x4096xf32, #tpu.memory_space<hbm>> -> memref<13310x4096xf32, #tpu.memory_space<hbm>>
    tpu.enqueue_indirect_dma source(%dma_start3A_273 : memref<13310x4096xf32, #tpu.memory_space<hbm>>) target(%dma_start3A_268 : memref<8x4096xf32, #tpu.memory_space<vmem>>) offsets(%dma_start3A_270 : memref<8xi32, #tpu.memory_space<vmem>>) semaphore(%arg11 : memref<!tpu.dma_semaphore, #tpu.memory_space<semaphore_mem>>)
    %dma_wait3A_274 = arith.constant 2 : i32
    %dma_wait3A_275 = arith.constant 0 : i32
    %dma_wait3A_276 = arith.constant 0 : i32
    %dma_wait3A_277 = tpu.memref_slice %arg8[%dma_wait3A_274, %dma_wait3A_275, %dma_wait3A_276] : memref<3x8x4096xf32, #tpu.memory_space<vmem>> -> memref<1x8x4096xf32, #tpu.memory_space<vmem>>
    %dma_wait3A_278 = tpu.memref_squeeze %dma_wait3A_277 : memref<1x8x4096xf32, #tpu.memory_space<vmem>> -> memref<8x4096xf32, #tpu.memory_space<vmem>>
    %dma_wait3A_279 = arith.constant 40 : i32
    %dma_wait3A_280 = tpu.memref_slice %arg7[%dma_wait3A_279] : memref<128xi32, #tpu.memory_space<vmem>> -> memref<8xi32, #tpu.memory_space<vmem>>
    %dma_wait3A_281 = arith.constant 0 : i32
    %dma_wait3A_282 = arith.constant 0 : i32
    %dma_wait3A_283 = tpu.memref_slice %arg2[%dma_wait3A_281, %dma_wait3A_282] : memref<13310x4096xf32, #tpu.memory_space<hbm>> -> memref<13310x4096xf32, #tpu.memory_space<hbm>>
    tpu.wait_indirect_dma semaphore(%arg12 : memref<!tpu.dma_semaphore, #tpu.memory_space<semaphore_mem>>) src(%dma_wait3A_283 : memref<13310x4096xf32, #tpu.memory_space<hbm>>) dst(%dma_wait3A_278 : memref<8x4096xf32, #tpu.memory_space<vmem>>)
    %add3A_284 = arith.constant 40 : i32
    %add3A_285 = arith.addi %mul3A_2, %add3A_284 : i32
    %dma_start3A_286 = arith.constant 2 : i32
    %dma_start3A_287 = arith.constant 0 : i32
    %dma_start3A_288 = arith.constant 0 : i32
    %dma_start3A_289 = tpu.memref_slice %arg8[%dma_start3A_286, %dma_start3A_287, %dma_start3A_288] : memref<3x8x4096xf32, #tpu.memory_space<vmem>> -> memref<1x8x4096xf32, #tpu.memory_space<vmem>>
    %dma_start3A_290 = tpu.memref_squeeze %dma_start3A_289 : memref<1x8x4096xf32, #tpu.memory_space<vmem>> -> memref<8x4096xf32, #tpu.memory_space<vmem>>
    %dma_start3A_291 = arith.constant 0 : i32
    %dma_start3A_292 = tpu.memref_slice %arg5[%add3A_285, %dma_start3A_291] : memref<4096x4096xf32, #tpu.memory_space<hbm>> -> memref<8x4096xf32, #tpu.memory_space<hbm>>
    %dma_start3A_293 = arith.constant 0 : i32
    %dma_start3A_294 = tpu.memref_slice %arg5[%add3A_285, %dma_start3A_293] : memref<4096x4096xf32, #tpu.memory_space<hbm>> -> memref<8x4096xf32, #tpu.memory_space<hbm>>
    %dma_start3A_295 = arith.constant 0 : i32
    %dma_start3A_296 = arith.constant 0 : i32
    %dma_start3A_297 = tpu.memref_slice %arg8[%dma_start3A_286, %dma_start3A_295, %dma_start3A_296] : memref<3x8x4096xf32, #tpu.memory_space<vmem>> -> memref<1x8x4096xf32, #tpu.memory_space<vmem>>
    %dma_start3A_298 = tpu.memref_squeeze %dma_start3A_297 : memref<1x8x4096xf32, #tpu.memory_space<vmem>> -> memref<8x4096xf32, #tpu.memory_space<vmem>>
    tpu.enqueue_dma source(%dma_start3A_298 : memref<8x4096xf32, #tpu.memory_space<vmem>>) target(%dma_start3A_294 : memref<8x4096xf32, #tpu.memory_space<hbm>>) target_semaphore(%arg15 : memref<!tpu.dma_semaphore, #tpu.memory_space<semaphore_mem>>)
    %dma_wait3A_299 = arith.constant 2 : i32
    %dma_wait3A_300 = arith.constant 0 : i32
    %dma_wait3A_301 = arith.constant 0 : i32
    %dma_wait3A_302 = tpu.memref_slice %arg8[%dma_wait3A_299, %dma_wait3A_300, %dma_wait3A_301] : memref<3x8x4096xf32, #tpu.memory_space<vmem>> -> memref<1x8x4096xf32, #tpu.memory_space<vmem>>
    %dma_wait3A_303 = tpu.memref_squeeze %dma_wait3A_302 : memref<1x8x4096xf32, #tpu.memory_space<vmem>> -> memref<8x4096xf32, #tpu.memory_space<vmem>>
    %dma_wait3A_304 = arith.constant 0 : i32
    %dma_wait3A_305 = tpu.memref_slice %arg5[%add3A_285, %dma_wait3A_304] : memref<4096x4096xf32, #tpu.memory_space<hbm>> -> memref<8x4096xf32, #tpu.memory_space<hbm>>
    %dma_wait3A_306 = arith.constant 0 : i32
    %dma_wait3A_307 = tpu.memref_slice %arg5[%add3A_285, %dma_wait3A_306] : memref<4096x4096xf32, #tpu.memory_space<hbm>> -> memref<8x4096xf32, #tpu.memory_space<hbm>>
    %dma_wait3A_308 = arith.constant 0 : i32
    %dma_wait3A_309 = arith.constant 0 : i32
    %dma_wait3A_310 = tpu.memref_slice %arg8[%dma_wait3A_299, %dma_wait3A_308, %dma_wait3A_309] : memref<3x8x4096xf32, #tpu.memory_space<vmem>> -> memref<1x8x4096xf32, #tpu.memory_space<vmem>>
    %dma_wait3A_311 = tpu.memref_squeeze %dma_wait3A_310 : memref<1x8x4096xf32, #tpu.memory_space<vmem>> -> memref<8x4096xf32, #tpu.memory_space<vmem>>
    tpu.wait_dma2 semaphore(%arg15 : memref<!tpu.dma_semaphore, #tpu.memory_space<semaphore_mem>>) src(%dma_wait3A_311 : memref<8x4096xf32, #tpu.memory_space<vmem>>) dst(%dma_wait3A_307 : memref<8x4096xf32, #tpu.memory_space<hbm>>)
    %dma_start3A_312 = arith.constant 2 : i32
    %dma_start3A_313 = arith.constant 0 : i32
    %dma_start3A_314 = arith.constant 0 : i32
    %dma_start3A_315 = tpu.memref_slice %arg8[%dma_start3A_312, %dma_start3A_313, %dma_start3A_314] : memref<3x8x4096xf32, #tpu.memory_space<vmem>> -> memref<1x8x4096xf32, #tpu.memory_space<vmem>>
    %dma_start3A_316 = tpu.memref_squeeze %dma_start3A_315 : memref<1x8x4096xf32, #tpu.memory_space<vmem>> -> memref<8x4096xf32, #tpu.memory_space<vmem>>
    %dma_start3A_317 = arith.constant 64 : i32
    %dma_start3A_318 = tpu.memref_slice %arg7[%dma_start3A_317] : memref<128xi32, #tpu.memory_space<vmem>> -> memref<8xi32, #tpu.memory_space<vmem>>
    %dma_start3A_319 = arith.constant 0 : i32
    %dma_start3A_320 = arith.constant 0 : i32
    %dma_start3A_321 = tpu.memref_slice %arg2[%dma_start3A_319, %dma_start3A_320] : memref<13310x4096xf32, #tpu.memory_space<hbm>> -> memref<13310x4096xf32, #tpu.memory_space<hbm>>
    tpu.enqueue_indirect_dma source(%dma_start3A_321 : memref<13310x4096xf32, #tpu.memory_space<hbm>>) target(%dma_start3A_316 : memref<8x4096xf32, #tpu.memory_space<vmem>>) offsets(%dma_start3A_318 : memref<8xi32, #tpu.memory_space<vmem>>) semaphore(%arg12 : memref<!tpu.dma_semaphore, #tpu.memory_space<semaphore_mem>>)
    %dma_wait3A_322 = arith.constant 0 : i32
    %dma_wait3A_323 = arith.constant 0 : i32
    %dma_wait3A_324 = arith.constant 0 : i32
    %dma_wait3A_325 = tpu.memref_slice %arg8[%dma_wait3A_322, %dma_wait3A_323, %dma_wait3A_324] : memref<3x8x4096xf32, #tpu.memory_space<vmem>> -> memref<1x8x4096xf32, #tpu.memory_space<vmem>>
    %dma_wait3A_326 = tpu.memref_squeeze %dma_wait3A_325 : memref<1x8x4096xf32, #tpu.memory_space<vmem>> -> memref<8x4096xf32, #tpu.memory_space<vmem>>
    %dma_wait3A_327 = arith.constant 48 : i32
    %dma_wait3A_328 = tpu.memref_slice %arg7[%dma_wait3A_327] : memref<128xi32, #tpu.memory_space<vmem>> -> memref<8xi32, #tpu.memory_space<vmem>>
    %dma_wait3A_329 = arith.constant 0 : i32
    %dma_wait3A_330 = arith.constant 0 : i32
    %dma_wait3A_331 = tpu.memref_slice %arg2[%dma_wait3A_329, %dma_wait3A_330] : memref<13310x4096xf32, #tpu.memory_space<hbm>> -> memref<13310x4096xf32, #tpu.memory_space<hbm>>
    tpu.wait_indirect_dma semaphore(%arg10 : memref<!tpu.dma_semaphore, #tpu.memory_space<semaphore_mem>>) src(%dma_wait3A_331 : memref<13310x4096xf32, #tpu.memory_space<hbm>>) dst(%dma_wait3A_326 : memref<8x4096xf32, #tpu.memory_space<vmem>>)
    %add3A_332 = arith.constant 48 : i32
    %add3A_333 = arith.addi %mul3A_2, %add3A_332 : i32
    %dma_start3A_334 = arith.constant 0 : i32
    %dma_start3A_335 = arith.constant 0 : i32
    %dma_start3A_336 = arith.constant 0 : i32
    %dma_start3A_337 = tpu.memref_slice %arg8[%dma_start3A_334, %dma_start3A_335, %dma_start3A_336] : memref<3x8x4096xf32, #tpu.memory_space<vmem>> -> memref<1x8x4096xf32, #tpu.memory_space<vmem>>
    %dma_start3A_338 = tpu.memref_squeeze %dma_start3A_337 : memref<1x8x4096xf32, #tpu.memory_space<vmem>> -> memref<8x4096xf32, #tpu.memory_space<vmem>>
    %dma_start3A_339 = arith.constant 0 : i32
    %dma_start3A_340 = tpu.memref_slice %arg5[%add3A_333, %dma_start3A_339] : memref<4096x4096xf32, #tpu.memory_space<hbm>> -> memref<8x4096xf32, #tpu.memory_space<hbm>>
    %dma_start3A_341 = arith.constant 0 : i32
    %dma_start3A_342 = tpu.memref_slice %arg5[%add3A_333, %dma_start3A_341] : memref<4096x4096xf32, #tpu.memory_space<hbm>> -> memref<8x4096xf32, #tpu.memory_space<hbm>>
    %dma_start3A_343 = arith.constant 0 : i32
    %dma_start3A_344 = arith.constant 0 : i32
    %dma_start3A_345 = tpu.memref_slice %arg8[%dma_start3A_334, %dma_start3A_343, %dma_start3A_344] : memref<3x8x4096xf32, #tpu.memory_space<vmem>> -> memref<1x8x4096xf32, #tpu.memory_space<vmem>>
    %dma_start3A_346 = tpu.memref_squeeze %dma_start3A_345 : memref<1x8x4096xf32, #tpu.memory_space<vmem>> -> memref<8x4096xf32, #tpu.memory_space<vmem>>
    tpu.enqueue_dma source(%dma_start3A_346 : memref<8x4096xf32, #tpu.memory_space<vmem>>) target(%dma_start3A_342 : memref<8x4096xf32, #tpu.memory_space<hbm>>) target_semaphore(%arg13 : memref<!tpu.dma_semaphore, #tpu.memory_space<semaphore_mem>>)
    %dma_wait3A_347 = arith.constant 0 : i32
    %dma_wait3A_348 = arith.constant 0 : i32
    %dma_wait3A_349 = arith.constant 0 : i32
    %dma_wait3A_350 = tpu.memref_slice %arg8[%dma_wait3A_347, %dma_wait3A_348, %dma_wait3A_349] : memref<3x8x4096xf32, #tpu.memory_space<vmem>> -> memref<1x8x4096xf32, #tpu.memory_space<vmem>>
    %dma_wait3A_351 = tpu.memref_squeeze %dma_wait3A_350 : memref<1x8x4096xf32, #tpu.memory_space<vmem>> -> memref<8x4096xf32, #tpu.memory_space<vmem>>
    %dma_wait3A_352 = arith.constant 0 : i32
    %dma_wait3A_353 = tpu.memref_slice %arg5[%add3A_333, %dma_wait3A_352] : memref<4096x4096xf32, #tpu.memory_space<hbm>> -> memref<8x4096xf32, #tpu.memory_space<hbm>>
    %dma_wait3A_354 = arith.constant 0 : i32
    %dma_wait3A_355 = tpu.memref_slice %arg5[%add3A_333, %dma_wait3A_354] : memref<4096x4096xf32, #tpu.memory_space<hbm>> -> memref<8x4096xf32, #tpu.memory_space<hbm>>
    %dma_wait3A_356 = arith.constant 0 : i32
    %dma_wait3A_357 = arith.constant 0 : i32
    %dma_wait3A_358 = tpu.memref_slice %arg8[%dma_wait3A_347, %dma_wait3A_356, %dma_wait3A_357] : memref<3x8x4096xf32, #tpu.memory_space<vmem>> -> memref<1x8x4096xf32, #tpu.memory_space<vmem>>
    %dma_wait3A_359 = tpu.memref_squeeze %dma_wait3A_358 : memref<1x8x4096xf32, #tpu.memory_space<vmem>> -> memref<8x4096xf32, #tpu.memory_space<vmem>>
    tpu.wait_dma2 semaphore(%arg13 : memref<!tpu.dma_semaphore, #tpu.memory_space<semaphore_mem>>) src(%dma_wait3A_359 : memref<8x4096xf32, #tpu.memory_space<vmem>>) dst(%dma_wait3A_355 : memref<8x4096xf32, #tpu.memory_space<hbm>>)
    %dma_start3A_360 = arith.constant 0 : i32
    %dma_start3A_361 = arith.constant 0 : i32
    %dma_start3A_362 = arith.constant 0 : i32
    %dma_start3A_363 = tpu.memref_slice %arg8[%dma_start3A_360, %dma_start3A_361, %dma_start3A_362] : memref<3x8x4096xf32, #tpu.memory_space<vmem>> -> memref<1x8x4096xf32, #tpu.memory_space<vmem>>
    %dma_start3A_364 = tpu.memref_squeeze %dma_start3A_363 : memref<1x8x4096xf32, #tpu.memory_space<vmem>> -> memref<8x4096xf32, #tpu.memory_space<vmem>>
    %dma_start3A_365 = arith.constant 72 : i32
    %dma_start3A_366 = tpu.memref_slice %arg7[%dma_start3A_365] : memref<128xi32, #tpu.memory_space<vmem>> -> memref<8xi32, #tpu.memory_space<vmem>>
    %dma_start3A_367 = arith.constant 0 : i32
    %dma_start3A_368 = arith.constant 0 : i32
    %dma_start3A_369 = tpu.memref_slice %arg2[%dma_start3A_367, %dma_start3A_368] : memref<13310x4096xf32, #tpu.memory_space<hbm>> -> memref<13310x4096xf32, #tpu.memory_space<hbm>>
    tpu.enqueue_indirect_dma source(%dma_start3A_369 : memref<13310x4096xf32, #tpu.memory_space<hbm>>) target(%dma_start3A_364 : memref<8x4096xf32, #tpu.memory_space<vmem>>) offsets(%dma_start3A_366 : memref<8xi32, #tpu.memory_space<vmem>>) semaphore(%arg10 : memref<!tpu.dma_semaphore, #tpu.memory_space<semaphore_mem>>)
    %dma_wait3A_370 = arith.constant 1 : i32
    %dma_wait3A_371 = arith.constant 0 : i32
    %dma_wait3A_372 = arith.constant 0 : i32
    %dma_wait3A_373 = tpu.memref_slice %arg8[%dma_wait3A_370, %dma_wait3A_371, %dma_wait3A_372] : memref<3x8x4096xf32, #tpu.memory_space<vmem>> -> memref<1x8x4096xf32, #tpu.memory_space<vmem>>
    %dma_wait3A_374 = tpu.memref_squeeze %dma_wait3A_373 : memref<1x8x4096xf32, #tpu.memory_space<vmem>> -> memref<8x4096xf32, #tpu.memory_space<vmem>>
    %dma_wait3A_375 = arith.constant 56 : i32
    %dma_wait3A_376 = tpu.memref_slice %arg7[%dma_wait3A_375] : memref<128xi32, #tpu.memory_space<vmem>> -> memref<8xi32, #tpu.memory_space<vmem>>
    %dma_wait3A_377 = arith.constant 0 : i32
    %dma_wait3A_378 = arith.constant 0 : i32
    %dma_wait3A_379 = tpu.memref_slice %arg2[%dma_wait3A_377, %dma_wait3A_378] : memref<13310x4096xf32, #tpu.memory_space<hbm>> -> memref<13310x4096xf32, #tpu.memory_space<hbm>>
    tpu.wait_indirect_dma semaphore(%arg11 : memref<!tpu.dma_semaphore, #tpu.memory_space<semaphore_mem>>) src(%dma_wait3A_379 : memref<13310x4096xf32, #tpu.memory_space<hbm>>) dst(%dma_wait3A_374 : memref<8x4096xf32, #tpu.memory_space<vmem>>)
    %add3A_380 = arith.constant 56 : i32
    %add3A_381 = arith.addi %mul3A_2, %add3A_380 : i32
    %dma_start3A_382 = arith.constant 1 : i32
    %dma_start3A_383 = arith.constant 0 : i32
    %dma_start3A_384 = arith.constant 0 : i32
    %dma_start3A_385 = tpu.memref_slice %arg8[%dma_start3A_382, %dma_start3A_383, %dma_start3A_384] : memref<3x8x4096xf32, #tpu.memory_space<vmem>> -> memref<1x8x4096xf32, #tpu.memory_space<vmem>>
    %dma_start3A_386 = tpu.memref_squeeze %dma_start3A_385 : memref<1x8x4096xf32, #tpu.memory_space<vmem>> -> memref<8x4096xf32, #tpu.memory_space<vmem>>
    %dma_start3A_387 = arith.constant 0 : i32
    %dma_start3A_388 = tpu.memref_slice %arg5[%add3A_381, %dma_start3A_387] : memref<4096x4096xf32, #tpu.memory_space<hbm>> -> memref<8x4096xf32, #tpu.memory_space<hbm>>
    %dma_start3A_389 = arith.constant 0 : i32
    %dma_start3A_390 = tpu.memref_slice %arg5[%add3A_381, %dma_start3A_389] : memref<4096x4096xf32, #tpu.memory_space<hbm>> -> memref<8x4096xf32, #tpu.memory_space<hbm>>
    %dma_start3A_391 = arith.constant 0 : i32
    %dma_start3A_392 = arith.constant 0 : i32
    %dma_start3A_393 = tpu.memref_slice %arg8[%dma_start3A_382, %dma_start3A_391, %dma_start3A_392] : memref<3x8x4096xf32, #tpu.memory_space<vmem>> -> memref<1x8x4096xf32, #tpu.memory_space<vmem>>
    %dma_start3A_394 = tpu.memref_squeeze %dma_start3A_393 : memref<1x8x4096xf32, #tpu.memory_space<vmem>> -> memref<8x4096xf32, #tpu.memory_space<vmem>>
    tpu.enqueue_dma source(%dma_start3A_394 : memref<8x4096xf32, #tpu.memory_space<vmem>>) target(%dma_start3A_390 : memref<8x4096xf32, #tpu.memory_space<hbm>>) target_semaphore(%arg14 : memref<!tpu.dma_semaphore, #tpu.memory_space<semaphore_mem>>)
    %dma_wait3A_395 = arith.constant 1 : i32
    %dma_wait3A_396 = arith.constant 0 : i32
    %dma_wait3A_397 = arith.constant 0 : i32
    %dma_wait3A_398 = tpu.memref_slice %arg8[%dma_wait3A_395, %dma_wait3A_396, %dma_wait3A_397] : memref<3x8x4096xf32, #tpu.memory_space<vmem>> -> memref<1x8x4096xf32, #tpu.memory_space<vmem>>
    %dma_wait3A_399 = tpu.memref_squeeze %dma_wait3A_398 : memref<1x8x4096xf32, #tpu.memory_space<vmem>> -> memref<8x4096xf32, #tpu.memory_space<vmem>>
    %dma_wait3A_400 = arith.constant 0 : i32
    %dma_wait3A_401 = tpu.memref_slice %arg5[%add3A_381, %dma_wait3A_400] : memref<4096x4096xf32, #tpu.memory_space<hbm>> -> memref<8x4096xf32, #tpu.memory_space<hbm>>
    %dma_wait3A_402 = arith.constant 0 : i32
    %dma_wait3A_403 = tpu.memref_slice %arg5[%add3A_381, %dma_wait3A_402] : memref<4096x4096xf32, #tpu.memory_space<hbm>> -> memref<8x4096xf32, #tpu.memory_space<hbm>>
    %dma_wait3A_404 = arith.constant 0 : i32
    %dma_wait3A_405 = arith.constant 0 : i32
    %dma_wait3A_406 = tpu.memref_slice %arg8[%dma_wait3A_395, %dma_wait3A_404, %dma_wait3A_405] : memref<3x8x4096xf32, #tpu.memory_space<vmem>> -> memref<1x8x4096xf32, #tpu.memory_space<vmem>>
    %dma_wait3A_407 = tpu.memref_squeeze %dma_wait3A_406 : memref<1x8x4096xf32, #tpu.memory_space<vmem>> -> memref<8x4096xf32, #tpu.memory_space<vmem>>
    tpu.wait_dma2 semaphore(%arg14 : memref<!tpu.dma_semaphore, #tpu.memory_space<semaphore_mem>>) src(%dma_wait3A_407 : memref<8x4096xf32, #tpu.memory_space<vmem>>) dst(%dma_wait3A_403 : memref<8x4096xf32, #tpu.memory_space<hbm>>)
    %dma_start3A_408 = arith.constant 1 : i32
    %dma_start3A_409 = arith.constant 0 : i32
    %dma_start3A_410 = arith.constant 0 : i32
    %dma_start3A_411 = tpu.memref_slice %arg8[%dma_start3A_408, %dma_start3A_409, %dma_start3A_410] : memref<3x8x4096xf32, #tpu.memory_space<vmem>> -> memref<1x8x4096xf32, #tpu.memory_space<vmem>>
    %dma_start3A_412 = tpu.memref_squeeze %dma_start3A_411 : memref<1x8x4096xf32, #tpu.memory_space<vmem>> -> memref<8x4096xf32, #tpu.memory_space<vmem>>
    %dma_start3A_413 = arith.constant 80 : i32
    %dma_start3A_414 = tpu.memref_slice %arg7[%dma_start3A_413] : memref<128xi32, #tpu.memory_space<vmem>> -> memref<8xi32, #tpu.memory_space<vmem>>
    %dma_start3A_415 = arith.constant 0 : i32
    %dma_start3A_416 = arith.constant 0 : i32
    %dma_start3A_417 = tpu.memref_slice %arg2[%dma_start3A_415, %dma_start3A_416] : memref<13310x4096xf32, #tpu.memory_space<hbm>> -> memref<13310x4096xf32, #tpu.memory_space<hbm>>
    tpu.enqueue_indirect_dma source(%dma_start3A_417 : memref<13310x4096xf32, #tpu.memory_space<hbm>>) target(%dma_start3A_412 : memref<8x4096xf32, #tpu.memory_space<vmem>>) offsets(%dma_start3A_414 : memref<8xi32, #tpu.memory_space<vmem>>) semaphore(%arg11 : memref<!tpu.dma_semaphore, #tpu.memory_space<semaphore_mem>>)
    %dma_wait3A_418 = arith.constant 2 : i32
    %dma_wait3A_419 = arith.constant 0 : i32
    %dma_wait3A_420 = arith.constant 0 : i32
    %dma_wait3A_421 = tpu.memref_slice %arg8[%dma_wait3A_418, %dma_wait3A_419, %dma_wait3A_420] : memref<3x8x4096xf32, #tpu.memory_space<vmem>> -> memref<1x8x4096xf32, #tpu.memory_space<vmem>>
    %dma_wait3A_422 = tpu.memref_squeeze %dma_wait3A_421 : memref<1x8x4096xf32, #tpu.memory_space<vmem>> -> memref<8x4096xf32, #tpu.memory_space<vmem>>
    %dma_wait3A_423 = arith.constant 64 : i32
    %dma_wait3A_424 = tpu.memref_slice %arg7[%dma_wait3A_423] : memref<128xi32, #tpu.memory_space<vmem>> -> memref<8xi32, #tpu.memory_space<vmem>>
    %dma_wait3A_425 = arith.constant 0 : i32
    %dma_wait3A_426 = arith.constant 0 : i32
    %dma_wait3A_427 = tpu.memref_slice %arg2[%dma_wait3A_425, %dma_wait3A_426] : memref<13310x4096xf32, #tpu.memory_space<hbm>> -> memref<13310x4096xf32, #tpu.memory_space<hbm>>
    tpu.wait_indirect_dma semaphore(%arg12 : memref<!tpu.dma_semaphore, #tpu.memory_space<semaphore_mem>>) src(%dma_wait3A_427 : memref<13310x4096xf32, #tpu.memory_space<hbm>>) dst(%dma_wait3A_422 : memref<8x4096xf32, #tpu.memory_space<vmem>>)
    %add3A_428 = arith.constant 64 : i32
    %add3A_429 = arith.addi %mul3A_2, %add3A_428 : i32
    %dma_start3A_430 = arith.constant 2 : i32
    %dma_start3A_431 = arith.constant 0 : i32
    %dma_start3A_432 = arith.constant 0 : i32
    %dma_start3A_433 = tpu.memref_slice %arg8[%dma_start3A_430, %dma_start3A_431, %dma_start3A_432] : memref<3x8x4096xf32, #tpu.memory_space<vmem>> -> memref<1x8x4096xf32, #tpu.memory_space<vmem>>
    %dma_start3A_434 = tpu.memref_squeeze %dma_start3A_433 : memref<1x8x4096xf32, #tpu.memory_space<vmem>> -> memref<8x4096xf32, #tpu.memory_space<vmem>>
    %dma_start3A_435 = arith.constant 0 : i32
    %dma_start3A_436 = tpu.memref_slice %arg5[%add3A_429, %dma_start3A_435] : memref<4096x4096xf32, #tpu.memory_space<hbm>> -> memref<8x4096xf32, #tpu.memory_space<hbm>>
    %dma_start3A_437 = arith.constant 0 : i32
    %dma_start3A_438 = tpu.memref_slice %arg5[%add3A_429, %dma_start3A_437] : memref<4096x4096xf32, #tpu.memory_space<hbm>> -> memref<8x4096xf32, #tpu.memory_space<hbm>>
    %dma_start3A_439 = arith.constant 0 : i32
    %dma_start3A_440 = arith.constant 0 : i32
    %dma_start3A_441 = tpu.memref_slice %arg8[%dma_start3A_430, %dma_start3A_439, %dma_start3A_440] : memref<3x8x4096xf32, #tpu.memory_space<vmem>> -> memref<1x8x4096xf32, #tpu.memory_space<vmem>>
    %dma_start3A_442 = tpu.memref_squeeze %dma_start3A_441 : memref<1x8x4096xf32, #tpu.memory_space<vmem>> -> memref<8x4096xf32, #tpu.memory_space<vmem>>
    tpu.enqueue_dma source(%dma_start3A_442 : memref<8x4096xf32, #tpu.memory_space<vmem>>) target(%dma_start3A_438 : memref<8x4096xf32, #tpu.memory_space<hbm>>) target_semaphore(%arg15 : memref<!tpu.dma_semaphore, #tpu.memory_space<semaphore_mem>>)
    %dma_wait3A_443 = arith.constant 2 : i32
    %dma_wait3A_444 = arith.constant 0 : i32
    %dma_wait3A_445 = arith.constant 0 : i32
    %dma_wait3A_446 = tpu.memref_slice %arg8[%dma_wait3A_443, %dma_wait3A_444, %dma_wait3A_445] : memref<3x8x4096xf32, #tpu.memory_space<vmem>> -> memref<1x8x4096xf32, #tpu.memory_space<vmem>>
    %dma_wait3A_447 = tpu.memref_squeeze %dma_wait3A_446 : memref<1x8x4096xf32, #tpu.memory_space<vmem>> -> memref<8x4096xf32, #tpu.memory_space<vmem>>
    %dma_wait3A_448 = arith.constant 0 : i32
    %dma_wait3A_449 = tpu.memref_slice %arg5[%add3A_429, %dma_wait3A_448] : memref<4096x4096xf32, #tpu.memory_space<hbm>> -> memref<8x4096xf32, #tpu.memory_space<hbm>>
    %dma_wait3A_450 = arith.constant 0 : i32
    %dma_wait3A_451 = tpu.memref_slice %arg5[%add3A_429, %dma_wait3A_450] : memref<4096x4096xf32, #tpu.memory_space<hbm>> -> memref<8x4096xf32, #tpu.memory_space<hbm>>
    %dma_wait3A_452 = arith.constant 0 : i32
    %dma_wait3A_453 = arith.constant 0 : i32
    %dma_wait3A_454 = tpu.memref_slice %arg8[%dma_wait3A_443, %dma_wait3A_452, %dma_wait3A_453] : memref<3x8x4096xf32, #tpu.memory_space<vmem>> -> memref<1x8x4096xf32, #tpu.memory_space<vmem>>
    %dma_wait3A_455 = tpu.memref_squeeze %dma_wait3A_454 : memref<1x8x4096xf32, #tpu.memory_space<vmem>> -> memref<8x4096xf32, #tpu.memory_space<vmem>>
    tpu.wait_dma2 semaphore(%arg15 : memref<!tpu.dma_semaphore, #tpu.memory_space<semaphore_mem>>) src(%dma_wait3A_455 : memref<8x4096xf32, #tpu.memory_space<vmem>>) dst(%dma_wait3A_451 : memref<8x4096xf32, #tpu.memory_space<hbm>>)
    %dma_start3A_456 = arith.constant 2 : i32
    %dma_start3A_457 = arith.constant 0 : i32
    %dma_start3A_458 = arith.constant 0 : i32
    %dma_start3A_459 = tpu.memref_slice %arg8[%dma_start3A_456, %dma_start3A_457, %dma_start3A_458] : memref<3x8x4096xf32, #tpu.memory_space<vmem>> -> memref<1x8x4096xf32, #tpu.memory_space<vmem>>
    %dma_start3A_460 = tpu.memref_squeeze %dma_start3A_459 : memref<1x8x4096xf32, #tpu.memory_space<vmem>> -> memref<8x4096xf32, #tpu.memory_space<vmem>>
    %dma_start3A_461 = arith.constant 88 : i32
    %dma_start3A_462 = tpu.memref_slice %arg7[%dma_start3A_461] : memref<128xi32, #tpu.memory_space<vmem>> -> memref<8xi32, #tpu.memory_space<vmem>>
    %dma_start3A_463 = arith.constant 0 : i32
    %dma_start3A_464 = arith.constant 0 : i32
    %dma_start3A_465 = tpu.memref_slice %arg2[%dma_start3A_463, %dma_start3A_464] : memref<13310x4096xf32, #tpu.memory_space<hbm>> -> memref<13310x4096xf32, #tpu.memory_space<hbm>>
    tpu.enqueue_indirect_dma source(%dma_start3A_465 : memref<13310x4096xf32, #tpu.memory_space<hbm>>) target(%dma_start3A_460 : memref<8x4096xf32, #tpu.memory_space<vmem>>) offsets(%dma_start3A_462 : memref<8xi32, #tpu.memory_space<vmem>>) semaphore(%arg12 : memref<!tpu.dma_semaphore, #tpu.memory_space<semaphore_mem>>)
    %dma_wait3A_466 = arith.constant 0 : i32
    %dma_wait3A_467 = arith.constant 0 : i32
    %dma_wait3A_468 = arith.constant 0 : i32
    %dma_wait3A_469 = tpu.memref_slice %arg8[%dma_wait3A_466, %dma_wait3A_467, %dma_wait3A_468] : memref<3x8x4096xf32, #tpu.memory_space<vmem>> -> memref<1x8x4096xf32, #tpu.memory_space<vmem>>
    %dma_wait3A_470 = tpu.memref_squeeze %dma_wait3A_469 : memref<1x8x4096xf32, #tpu.memory_space<vmem>> -> memref<8x4096xf32, #tpu.memory_space<vmem>>
    %dma_wait3A_471 = arith.constant 72 : i32
    %dma_wait3A_472 = tpu.memref_slice %arg7[%dma_wait3A_471] : memref<128xi32, #tpu.memory_space<vmem>> -> memref<8xi32, #tpu.memory_space<vmem>>
    %dma_wait3A_473 = arith.constant 0 : i32
    %dma_wait3A_474 = arith.constant 0 : i32
    %dma_wait3A_475 = tpu.memref_slice %arg2[%dma_wait3A_473, %dma_wait3A_474] : memref<13310x4096xf32, #tpu.memory_space<hbm>> -> memref<13310x4096xf32, #tpu.memory_space<hbm>>
    tpu.wait_indirect_dma semaphore(%arg10 : memref<!tpu.dma_semaphore, #tpu.memory_space<semaphore_mem>>) src(%dma_wait3A_475 : memref<13310x4096xf32, #tpu.memory_space<hbm>>) dst(%dma_wait3A_470 : memref<8x4096xf32, #tpu.memory_space<vmem>>)
    %add3A_476 = arith.constant 72 : i32
    %add3A_477 = arith.addi %mul3A_2, %add3A_476 : i32
    %dma_start3A_478 = arith.constant 0 : i32
    %dma_start3A_479 = arith.constant 0 : i32
    %dma_start3A_480 = arith.constant 0 : i32
    %dma_start3A_481 = tpu.memref_slice %arg8[%dma_start3A_478, %dma_start3A_479, %dma_start3A_480] : memref<3x8x4096xf32, #tpu.memory_space<vmem>> -> memref<1x8x4096xf32, #tpu.memory_space<vmem>>
    %dma_start3A_482 = tpu.memref_squeeze %dma_start3A_481 : memref<1x8x4096xf32, #tpu.memory_space<vmem>> -> memref<8x4096xf32, #tpu.memory_space<vmem>>
    %dma_start3A_483 = arith.constant 0 : i32
    %dma_start3A_484 = tpu.memref_slice %arg5[%add3A_477, %dma_start3A_483] : memref<4096x4096xf32, #tpu.memory_space<hbm>> -> memref<8x4096xf32, #tpu.memory_space<hbm>>
    %dma_start3A_485 = arith.constant 0 : i32
    %dma_start3A_486 = tpu.memref_slice %arg5[%add3A_477, %dma_start3A_485] : memref<4096x4096xf32, #tpu.memory_space<hbm>> -> memref<8x4096xf32, #tpu.memory_space<hbm>>
    %dma_start3A_487 = arith.constant 0 : i32
    %dma_start3A_488 = arith.constant 0 : i32
    %dma_start3A_489 = tpu.memref_slice %arg8[%dma_start3A_478, %dma_start3A_487, %dma_start3A_488] : memref<3x8x4096xf32, #tpu.memory_space<vmem>> -> memref<1x8x4096xf32, #tpu.memory_space<vmem>>
    %dma_start3A_490 = tpu.memref_squeeze %dma_start3A_489 : memref<1x8x4096xf32, #tpu.memory_space<vmem>> -> memref<8x4096xf32, #tpu.memory_space<vmem>>
    tpu.enqueue_dma source(%dma_start3A_490 : memref<8x4096xf32, #tpu.memory_space<vmem>>) target(%dma_start3A_486 : memref<8x4096xf32, #tpu.memory_space<hbm>>) target_semaphore(%arg13 : memref<!tpu.dma_semaphore, #tpu.memory_space<semaphore_mem>>)
    %dma_wait3A_491 = arith.constant 0 : i32
    %dma_wait3A_492 = arith.constant 0 : i32
    %dma_wait3A_493 = arith.constant 0 : i32
    %dma_wait3A_494 = tpu.memref_slice %arg8[%dma_wait3A_491, %dma_wait3A_492, %dma_wait3A_493] : memref<3x8x4096xf32, #tpu.memory_space<vmem>> -> memref<1x8x4096xf32, #tpu.memory_space<vmem>>
    %dma_wait3A_495 = tpu.memref_squeeze %dma_wait3A_494 : memref<1x8x4096xf32, #tpu.memory_space<vmem>> -> memref<8x4096xf32, #tpu.memory_space<vmem>>
    %dma_wait3A_496 = arith.constant 0 : i32
    %dma_wait3A_497 = tpu.memref_slice %arg5[%add3A_477, %dma_wait3A_496] : memref<4096x4096xf32, #tpu.memory_space<hbm>> -> memref<8x4096xf32, #tpu.memory_space<hbm>>
    %dma_wait3A_498 = arith.constant 0 : i32
    %dma_wait3A_499 = tpu.memref_slice %arg5[%add3A_477, %dma_wait3A_498] : memref<4096x4096xf32, #tpu.memory_space<hbm>> -> memref<8x4096xf32, #tpu.memory_space<hbm>>
    %dma_wait3A_500 = arith.constant 0 : i32
    %dma_wait3A_501 = arith.constant 0 : i32
    %dma_wait3A_502 = tpu.memref_slice %arg8[%dma_wait3A_491, %dma_wait3A_500, %dma_wait3A_501] : memref<3x8x4096xf32, #tpu.memory_space<vmem>> -> memref<1x8x4096xf32, #tpu.memory_space<vmem>>
    %dma_wait3A_503 = tpu.memref_squeeze %dma_wait3A_502 : memref<1x8x4096xf32, #tpu.memory_space<vmem>> -> memref<8x4096xf32, #tpu.memory_space<vmem>>
    tpu.wait_dma2 semaphore(%arg13 : memref<!tpu.dma_semaphore, #tpu.memory_space<semaphore_mem>>) src(%dma_wait3A_503 : memref<8x4096xf32, #tpu.memory_space<vmem>>) dst(%dma_wait3A_499 : memref<8x4096xf32, #tpu.memory_space<hbm>>)
    %dma_start3A_504 = arith.constant 0 : i32
    %dma_start3A_505 = arith.constant 0 : i32
    %dma_start3A_506 = arith.constant 0 : i32
    %dma_start3A_507 = tpu.memref_slice %arg8[%dma_start3A_504, %dma_start3A_505, %dma_start3A_506] : memref<3x8x4096xf32, #tpu.memory_space<vmem>> -> memref<1x8x4096xf32, #tpu.memory_space<vmem>>
    %dma_start3A_508 = tpu.memref_squeeze %dma_start3A_507 : memref<1x8x4096xf32, #tpu.memory_space<vmem>> -> memref<8x4096xf32, #tpu.memory_space<vmem>>
    %dma_start3A_509 = arith.constant 96 : i32
    %dma_start3A_510 = tpu.memref_slice %arg7[%dma_start3A_509] : memref<128xi32, #tpu.memory_space<vmem>> -> memref<8xi32, #tpu.memory_space<vmem>>
    %dma_start3A_511 = arith.constant 0 : i32
    %dma_start3A_512 = arith.constant 0 : i32
    %dma_start3A_513 = tpu.memref_slice %arg2[%dma_start3A_511, %dma_start3A_512] : memref<13310x4096xf32, #tpu.memory_space<hbm>> -> memref<13310x4096xf32, #tpu.memory_space<hbm>>
    tpu.enqueue_indirect_dma source(%dma_start3A_513 : memref<13310x4096xf32, #tpu.memory_space<hbm>>) target(%dma_start3A_508 : memref<8x4096xf32, #tpu.memory_space<vmem>>) offsets(%dma_start3A_510 : memref<8xi32, #tpu.memory_space<vmem>>) semaphore(%arg10 : memref<!tpu.dma_semaphore, #tpu.memory_space<semaphore_mem>>)
    %dma_wait3A_514 = arith.constant 1 : i32
    %dma_wait3A_515 = arith.constant 0 : i32
    %dma_wait3A_516 = arith.constant 0 : i32
    %dma_wait3A_517 = tpu.memref_slice %arg8[%dma_wait3A_514, %dma_wait3A_515, %dma_wait3A_516] : memref<3x8x4096xf32, #tpu.memory_space<vmem>> -> memref<1x8x4096xf32, #tpu.memory_space<vmem>>
    %dma_wait3A_518 = tpu.memref_squeeze %dma_wait3A_517 : memref<1x8x4096xf32, #tpu.memory_space<vmem>> -> memref<8x4096xf32, #tpu.memory_space<vmem>>
    %dma_wait3A_519 = arith.constant 80 : i32
    %dma_wait3A_520 = tpu.memref_slice %arg7[%dma_wait3A_519] : memref<128xi32, #tpu.memory_space<vmem>> -> memref<8xi32, #tpu.memory_space<vmem>>
    %dma_wait3A_521 = arith.constant 0 : i32
    %dma_wait3A_522 = arith.constant 0 : i32
    %dma_wait3A_523 = tpu.memref_slice %arg2[%dma_wait3A_521, %dma_wait3A_522] : memref<13310x4096xf32, #tpu.memory_space<hbm>> -> memref<13310x4096xf32, #tpu.memory_space<hbm>>
    tpu.wait_indirect_dma semaphore(%arg11 : memref<!tpu.dma_semaphore, #tpu.memory_space<semaphore_mem>>) src(%dma_wait3A_523 : memref<13310x4096xf32, #tpu.memory_space<hbm>>) dst(%dma_wait3A_518 : memref<8x4096xf32, #tpu.memory_space<vmem>>)
    %add3A_524 = arith.constant 80 : i32
    %add3A_525 = arith.addi %mul3A_2, %add3A_524 : i32
    %dma_start3A_526 = arith.constant 1 : i32
    %dma_start3A_527 = arith.constant 0 : i32
    %dma_start3A_528 = arith.constant 0 : i32
    %dma_start3A_529 = tpu.memref_slice %arg8[%dma_start3A_526, %dma_start3A_527, %dma_start3A_528] : memref<3x8x4096xf32, #tpu.memory_space<vmem>> -> memref<1x8x4096xf32, #tpu.memory_space<vmem>>
    %dma_start3A_530 = tpu.memref_squeeze %dma_start3A_529 : memref<1x8x4096xf32, #tpu.memory_space<vmem>> -> memref<8x4096xf32, #tpu.memory_space<vmem>>
    %dma_start3A_531 = arith.constant 0 : i32
    %dma_start3A_532 = tpu.memref_slice %arg5[%add3A_525, %dma_start3A_531] : memref<4096x4096xf32, #tpu.memory_space<hbm>> -> memref<8x4096xf32, #tpu.memory_space<hbm>>
    %dma_start3A_533 = arith.constant 0 : i32
    %dma_start3A_534 = tpu.memref_slice %arg5[%add3A_525, %dma_start3A_533] : memref<4096x4096xf32, #tpu.memory_space<hbm>> -> memref<8x4096xf32, #tpu.memory_space<hbm>>
    %dma_start3A_535 = arith.constant 0 : i32
    %dma_start3A_536 = arith.constant 0 : i32
    %dma_start3A_537 = tpu.memref_slice %arg8[%dma_start3A_526, %dma_start3A_535, %dma_start3A_536] : memref<3x8x4096xf32, #tpu.memory_space<vmem>> -> memref<1x8x4096xf32, #tpu.memory_space<vmem>>
    %dma_start3A_538 = tpu.memref_squeeze %dma_start3A_537 : memref<1x8x4096xf32, #tpu.memory_space<vmem>> -> memref<8x4096xf32, #tpu.memory_space<vmem>>
    tpu.enqueue_dma source(%dma_start3A_538 : memref<8x4096xf32, #tpu.memory_space<vmem>>) target(%dma_start3A_534 : memref<8x4096xf32, #tpu.memory_space<hbm>>) target_semaphore(%arg14 : memref<!tpu.dma_semaphore, #tpu.memory_space<semaphore_mem>>)
    %dma_wait3A_539 = arith.constant 1 : i32
    %dma_wait3A_540 = arith.constant 0 : i32
    %dma_wait3A_541 = arith.constant 0 : i32
    %dma_wait3A_542 = tpu.memref_slice %arg8[%dma_wait3A_539, %dma_wait3A_540, %dma_wait3A_541] : memref<3x8x4096xf32, #tpu.memory_space<vmem>> -> memref<1x8x4096xf32, #tpu.memory_space<vmem>>
    %dma_wait3A_543 = tpu.memref_squeeze %dma_wait3A_542 : memref<1x8x4096xf32, #tpu.memory_space<vmem>> -> memref<8x4096xf32, #tpu.memory_space<vmem>>
    %dma_wait3A_544 = arith.constant 0 : i32
    %dma_wait3A_545 = tpu.memref_slice %arg5[%add3A_525, %dma_wait3A_544] : memref<4096x4096xf32, #tpu.memory_space<hbm>> -> memref<8x4096xf32, #tpu.memory_space<hbm>>
    %dma_wait3A_546 = arith.constant 0 : i32
    %dma_wait3A_547 = tpu.memref_slice %arg5[%add3A_525, %dma_wait3A_546] : memref<4096x4096xf32, #tpu.memory_space<hbm>> -> memref<8x4096xf32, #tpu.memory_space<hbm>>
    %dma_wait3A_548 = arith.constant 0 : i32
    %dma_wait3A_549 = arith.constant 0 : i32
    %dma_wait3A_550 = tpu.memref_slice %arg8[%dma_wait3A_539, %dma_wait3A_548, %dma_wait3A_549] : memref<3x8x4096xf32, #tpu.memory_space<vmem>> -> memref<1x8x4096xf32, #tpu.memory_space<vmem>>
    %dma_wait3A_551 = tpu.memref_squeeze %dma_wait3A_550 : memref<1x8x4096xf32, #tpu.memory_space<vmem>> -> memref<8x4096xf32, #tpu.memory_space<vmem>>
    tpu.wait_dma2 semaphore(%arg14 : memref<!tpu.dma_semaphore, #tpu.memory_space<semaphore_mem>>) src(%dma_wait3A_551 : memref<8x4096xf32, #tpu.memory_space<vmem>>) dst(%dma_wait3A_547 : memref<8x4096xf32, #tpu.memory_space<hbm>>)
    %dma_start3A_552 = arith.constant 1 : i32
    %dma_start3A_553 = arith.constant 0 : i32
    %dma_start3A_554 = arith.constant 0 : i32
    %dma_start3A_555 = tpu.memref_slice %arg8[%dma_start3A_552, %dma_start3A_553, %dma_start3A_554] : memref<3x8x4096xf32, #tpu.memory_space<vmem>> -> memref<1x8x4096xf32, #tpu.memory_space<vmem>>
    %dma_start3A_556 = tpu.memref_squeeze %dma_start3A_555 : memref<1x8x4096xf32, #tpu.memory_space<vmem>> -> memref<8x4096xf32, #tpu.memory_space<vmem>>
    %dma_start3A_557 = arith.constant 104 : i32
    %dma_start3A_558 = tpu.memref_slice %arg7[%dma_start3A_557] : memref<128xi32, #tpu.memory_space<vmem>> -> memref<8xi32, #tpu.memory_space<vmem>>
    %dma_start3A_559 = arith.constant 0 : i32
    %dma_start3A_560 = arith.constant 0 : i32
    %dma_start3A_561 = tpu.memref_slice %arg2[%dma_start3A_559, %dma_start3A_560] : memref<13310x4096xf32, #tpu.memory_space<hbm>> -> memref<13310x4096xf32, #tpu.memory_space<hbm>>
    tpu.enqueue_indirect_dma source(%dma_start3A_561 : memref<13310x4096xf32, #tpu.memory_space<hbm>>) target(%dma_start3A_556 : memref<8x4096xf32, #tpu.memory_space<vmem>>) offsets(%dma_start3A_558 : memref<8xi32, #tpu.memory_space<vmem>>) semaphore(%arg11 : memref<!tpu.dma_semaphore, #tpu.memory_space<semaphore_mem>>)
    %dma_wait3A_562 = arith.constant 2 : i32
    %dma_wait3A_563 = arith.constant 0 : i32
    %dma_wait3A_564 = arith.constant 0 : i32
    %dma_wait3A_565 = tpu.memref_slice %arg8[%dma_wait3A_562, %dma_wait3A_563, %dma_wait3A_564] : memref<3x8x4096xf32, #tpu.memory_space<vmem>> -> memref<1x8x4096xf32, #tpu.memory_space<vmem>>
    %dma_wait3A_566 = tpu.memref_squeeze %dma_wait3A_565 : memref<1x8x4096xf32, #tpu.memory_space<vmem>> -> memref<8x4096xf32, #tpu.memory_space<vmem>>
    %dma_wait3A_567 = arith.constant 88 : i32
    %dma_wait3A_568 = tpu.memref_slice %arg7[%dma_wait3A_567] : memref<128xi32, #tpu.memory_space<vmem>> -> memref<8xi32, #tpu.memory_space<vmem>>
    %dma_wait3A_569 = arith.constant 0 : i32
    %dma_wait3A_570 = arith.constant 0 : i32
    %dma_wait3A_571 = tpu.memref_slice %arg2[%dma_wait3A_569, %dma_wait3A_570] : memref<13310x4096xf32, #tpu.memory_space<hbm>> -> memref<13310x4096xf32, #tpu.memory_space<hbm>>
    tpu.wait_indirect_dma semaphore(%arg12 : memref<!tpu.dma_semaphore, #tpu.memory_space<semaphore_mem>>) src(%dma_wait3A_571 : memref<13310x4096xf32, #tpu.memory_space<hbm>>) dst(%dma_wait3A_566 : memref<8x4096xf32, #tpu.memory_space<vmem>>)
    %add3A_572 = arith.constant 88 : i32
    %add3A_573 = arith.addi %mul3A_2, %add3A_572 : i32
    %dma_start3A_574 = arith.constant 2 : i32
    %dma_start3A_575 = arith.constant 0 : i32
    %dma_start3A_576 = arith.constant 0 : i32
    %dma_start3A_577 = tpu.memref_slice %arg8[%dma_start3A_574, %dma_start3A_575, %dma_start3A_576] : memref<3x8x4096xf32, #tpu.memory_space<vmem>> -> memref<1x8x4096xf32, #tpu.memory_space<vmem>>
    %dma_start3A_578 = tpu.memref_squeeze %dma_start3A_577 : memref<1x8x4096xf32, #tpu.memory_space<vmem>> -> memref<8x4096xf32, #tpu.memory_space<vmem>>
    %dma_start3A_579 = arith.constant 0 : i32
    %dma_start3A_580 = tpu.memref_slice %arg5[%add3A_573, %dma_start3A_579] : memref<4096x4096xf32, #tpu.memory_space<hbm>> -> memref<8x4096xf32, #tpu.memory_space<hbm>>
    %dma_start3A_581 = arith.constant 0 : i32
    %dma_start3A_582 = tpu.memref_slice %arg5[%add3A_573, %dma_start3A_581] : memref<4096x4096xf32, #tpu.memory_space<hbm>> -> memref<8x4096xf32, #tpu.memory_space<hbm>>
    %dma_start3A_583 = arith.constant 0 : i32
    %dma_start3A_584 = arith.constant 0 : i32
    %dma_start3A_585 = tpu.memref_slice %arg8[%dma_start3A_574, %dma_start3A_583, %dma_start3A_584] : memref<3x8x4096xf32, #tpu.memory_space<vmem>> -> memref<1x8x4096xf32, #tpu.memory_space<vmem>>
    %dma_start3A_586 = tpu.memref_squeeze %dma_start3A_585 : memref<1x8x4096xf32, #tpu.memory_space<vmem>> -> memref<8x4096xf32, #tpu.memory_space<vmem>>
    tpu.enqueue_dma source(%dma_start3A_586 : memref<8x4096xf32, #tpu.memory_space<vmem>>) target(%dma_start3A_582 : memref<8x4096xf32, #tpu.memory_space<hbm>>) target_semaphore(%arg15 : memref<!tpu.dma_semaphore, #tpu.memory_space<semaphore_mem>>)
    %dma_wait3A_587 = arith.constant 2 : i32
    %dma_wait3A_588 = arith.constant 0 : i32
    %dma_wait3A_589 = arith.constant 0 : i32
    %dma_wait3A_590 = tpu.memref_slice %arg8[%dma_wait3A_587, %dma_wait3A_588, %dma_wait3A_589] : memref<3x8x4096xf32, #tpu.memory_space<vmem>> -> memref<1x8x4096xf32, #tpu.memory_space<vmem>>
    %dma_wait3A_591 = tpu.memref_squeeze %dma_wait3A_590 : memref<1x8x4096xf32, #tpu.memory_space<vmem>> -> memref<8x4096xf32, #tpu.memory_space<vmem>>
    %dma_wait3A_592 = arith.constant 0 : i32
    %dma_wait3A_593 = tpu.memref_slice %arg5[%add3A_573, %dma_wait3A_592] : memref<4096x4096xf32, #tpu.memory_space<hbm>> -> memref<8x4096xf32, #tpu.memory_space<hbm>>
    %dma_wait3A_594 = arith.constant 0 : i32
    %dma_wait3A_595 = tpu.memref_slice %arg5[%add3A_573, %dma_wait3A_594] : memref<4096x4096xf32, #tpu.memory_space<hbm>> -> memref<8x4096xf32, #tpu.memory_space<hbm>>
    %dma_wait3A_596 = arith.constant 0 : i32
    %dma_wait3A_597 = arith.constant 0 : i32
    %dma_wait3A_598 = tpu.memref_slice %arg8[%dma_wait3A_587, %dma_wait3A_596, %dma_wait3A_597] : memref<3x8x4096xf32, #tpu.memory_space<vmem>> -> memref<1x8x4096xf32, #tpu.memory_space<vmem>>
    %dma_wait3A_599 = tpu.memref_squeeze %dma_wait3A_598 : memref<1x8x4096xf32, #tpu.memory_space<vmem>> -> memref<8x4096xf32, #tpu.memory_space<vmem>>
    tpu.wait_dma2 semaphore(%arg15 : memref<!tpu.dma_semaphore, #tpu.memory_space<semaphore_mem>>) src(%dma_wait3A_599 : memref<8x4096xf32, #tpu.memory_space<vmem>>) dst(%dma_wait3A_595 : memref<8x4096xf32, #tpu.memory_space<hbm>>)
    %dma_start3A_600 = arith.constant 2 : i32
    %dma_start3A_601 = arith.constant 0 : i32
    %dma_start3A_602 = arith.constant 0 : i32
    %dma_start3A_603 = tpu.memref_slice %arg8[%dma_start3A_600, %dma_start3A_601, %dma_start3A_602] : memref<3x8x4096xf32, #tpu.memory_space<vmem>> -> memref<1x8x4096xf32, #tpu.memory_space<vmem>>
    %dma_start3A_604 = tpu.memref_squeeze %dma_start3A_603 : memref<1x8x4096xf32, #tpu.memory_space<vmem>> -> memref<8x4096xf32, #tpu.memory_space<vmem>>
    %dma_start3A_605 = arith.constant 112 : i32
    %dma_start3A_606 = tpu.memref_slice %arg7[%dma_start3A_605] : memref<128xi32, #tpu.memory_space<vmem>> -> memref<8xi32, #tpu.memory_space<vmem>>
    %dma_start3A_607 = arith.constant 0 : i32
    %dma_start3A_608 = arith.constant 0 : i32
    %dma_start3A_609 = tpu.memref_slice %arg2[%dma_start3A_607, %dma_start3A_608] : memref<13310x4096xf32, #tpu.memory_space<hbm>> -> memref<13310x4096xf32, #tpu.memory_space<hbm>>
    tpu.enqueue_indirect_dma source(%dma_start3A_609 : memref<13310x4096xf32, #tpu.memory_space<hbm>>) target(%dma_start3A_604 : memref<8x4096xf32, #tpu.memory_space<vmem>>) offsets(%dma_start3A_606 : memref<8xi32, #tpu.memory_space<vmem>>) semaphore(%arg12 : memref<!tpu.dma_semaphore, #tpu.memory_space<semaphore_mem>>)
    %dma_wait3A_610 = arith.constant 0 : i32
    %dma_wait3A_611 = arith.constant 0 : i32
    %dma_wait3A_612 = arith.constant 0 : i32
    %dma_wait3A_613 = tpu.memref_slice %arg8[%dma_wait3A_610, %dma_wait3A_611, %dma_wait3A_612] : memref<3x8x4096xf32, #tpu.memory_space<vmem>> -> memref<1x8x4096xf32, #tpu.memory_space<vmem>>
    %dma_wait3A_614 = tpu.memref_squeeze %dma_wait3A_613 : memref<1x8x4096xf32, #tpu.memory_space<vmem>> -> memref<8x4096xf32, #tpu.memory_space<vmem>>
    %dma_wait3A_615 = arith.constant 96 : i32
    %dma_wait3A_616 = tpu.memref_slice %arg7[%dma_wait3A_615] : memref<128xi32, #tpu.memory_space<vmem>> -> memref<8xi32, #tpu.memory_space<vmem>>
    %dma_wait3A_617 = arith.constant 0 : i32
    %dma_wait3A_618 = arith.constant 0 : i32
    %dma_wait3A_619 = tpu.memref_slice %arg2[%dma_wait3A_617, %dma_wait3A_618] : memref<13310x4096xf32, #tpu.memory_space<hbm>> -> memref<13310x4096xf32, #tpu.memory_space<hbm>>
    tpu.wait_indirect_dma semaphore(%arg10 : memref<!tpu.dma_semaphore, #tpu.memory_space<semaphore_mem>>) src(%dma_wait3A_619 : memref<13310x4096xf32, #tpu.memory_space<hbm>>) dst(%dma_wait3A_614 : memref<8x4096xf32, #tpu.memory_space<vmem>>)
    %add3A_620 = arith.constant 96 : i32
    %add3A_621 = arith.addi %mul3A_2, %add3A_620 : i32
    %dma_start3A_622 = arith.constant 0 : i32
    %dma_start3A_623 = arith.constant 0 : i32
    %dma_start3A_624 = arith.constant 0 : i32
    %dma_start3A_625 = tpu.memref_slice %arg8[%dma_start3A_622, %dma_start3A_623, %dma_start3A_624] : memref<3x8x4096xf32, #tpu.memory_space<vmem>> -> memref<1x8x4096xf32, #tpu.memory_space<vmem>>
    %dma_start3A_626 = tpu.memref_squeeze %dma_start3A_625 : memref<1x8x4096xf32, #tpu.memory_space<vmem>> -> memref<8x4096xf32, #tpu.memory_space<vmem>>
    %dma_start3A_627 = arith.constant 0 : i32
    %dma_start3A_628 = tpu.memref_slice %arg5[%add3A_621, %dma_start3A_627] : memref<4096x4096xf32, #tpu.memory_space<hbm>> -> memref<8x4096xf32, #tpu.memory_space<hbm>>
    %dma_start3A_629 = arith.constant 0 : i32
    %dma_start3A_630 = tpu.memref_slice %arg5[%add3A_621, %dma_start3A_629] : memref<4096x4096xf32, #tpu.memory_space<hbm>> -> memref<8x4096xf32, #tpu.memory_space<hbm>>
    %dma_start3A_631 = arith.constant 0 : i32
    %dma_start3A_632 = arith.constant 0 : i32
    %dma_start3A_633 = tpu.memref_slice %arg8[%dma_start3A_622, %dma_start3A_631, %dma_start3A_632] : memref<3x8x4096xf32, #tpu.memory_space<vmem>> -> memref<1x8x4096xf32, #tpu.memory_space<vmem>>
    %dma_start3A_634 = tpu.memref_squeeze %dma_start3A_633 : memref<1x8x4096xf32, #tpu.memory_space<vmem>> -> memref<8x4096xf32, #tpu.memory_space<vmem>>
    tpu.enqueue_dma source(%dma_start3A_634 : memref<8x4096xf32, #tpu.memory_space<vmem>>) target(%dma_start3A_630 : memref<8x4096xf32, #tpu.memory_space<hbm>>) target_semaphore(%arg13 : memref<!tpu.dma_semaphore, #tpu.memory_space<semaphore_mem>>)
    %dma_wait3A_635 = arith.constant 0 : i32
    %dma_wait3A_636 = arith.constant 0 : i32
    %dma_wait3A_637 = arith.constant 0 : i32
    %dma_wait3A_638 = tpu.memref_slice %arg8[%dma_wait3A_635, %dma_wait3A_636, %dma_wait3A_637] : memref<3x8x4096xf32, #tpu.memory_space<vmem>> -> memref<1x8x4096xf32, #tpu.memory_space<vmem>>
    %dma_wait3A_639 = tpu.memref_squeeze %dma_wait3A_638 : memref<1x8x4096xf32, #tpu.memory_space<vmem>> -> memref<8x4096xf32, #tpu.memory_space<vmem>>
    %dma_wait3A_640 = arith.constant 0 : i32
    %dma_wait3A_641 = tpu.memref_slice %arg5[%add3A_621, %dma_wait3A_640] : memref<4096x4096xf32, #tpu.memory_space<hbm>> -> memref<8x4096xf32, #tpu.memory_space<hbm>>
    %dma_wait3A_642 = arith.constant 0 : i32
    %dma_wait3A_643 = tpu.memref_slice %arg5[%add3A_621, %dma_wait3A_642] : memref<4096x4096xf32, #tpu.memory_space<hbm>> -> memref<8x4096xf32, #tpu.memory_space<hbm>>
    %dma_wait3A_644 = arith.constant 0 : i32
    %dma_wait3A_645 = arith.constant 0 : i32
    %dma_wait3A_646 = tpu.memref_slice %arg8[%dma_wait3A_635, %dma_wait3A_644, %dma_wait3A_645] : memref<3x8x4096xf32, #tpu.memory_space<vmem>> -> memref<1x8x4096xf32, #tpu.memory_space<vmem>>
    %dma_wait3A_647 = tpu.memref_squeeze %dma_wait3A_646 : memref<1x8x4096xf32, #tpu.memory_space<vmem>> -> memref<8x4096xf32, #tpu.memory_space<vmem>>
    tpu.wait_dma2 semaphore(%arg13 : memref<!tpu.dma_semaphore, #tpu.memory_space<semaphore_mem>>) src(%dma_wait3A_647 : memref<8x4096xf32, #tpu.memory_space<vmem>>) dst(%dma_wait3A_643 : memref<8x4096xf32, #tpu.memory_space<hbm>>)
    %dma_start3A_648 = arith.constant 0 : i32
    %dma_start3A_649 = arith.constant 0 : i32
    %dma_start3A_650 = arith.constant 0 : i32
    %dma_start3A_651 = tpu.memref_slice %arg8[%dma_start3A_648, %dma_start3A_649, %dma_start3A_650] : memref<3x8x4096xf32, #tpu.memory_space<vmem>> -> memref<1x8x4096xf32, #tpu.memory_space<vmem>>
    %dma_start3A_652 = tpu.memref_squeeze %dma_start3A_651 : memref<1x8x4096xf32, #tpu.memory_space<vmem>> -> memref<8x4096xf32, #tpu.memory_space<vmem>>
    %dma_start3A_653 = arith.constant 120 : i32
    %dma_start3A_654 = tpu.memref_slice %arg7[%dma_start3A_653] : memref<128xi32, #tpu.memory_space<vmem>> -> memref<8xi32, #tpu.memory_space<vmem>>
    %dma_start3A_655 = arith.constant 0 : i32
    %dma_start3A_656 = arith.constant 0 : i32
    %dma_start3A_657 = tpu.memref_slice %arg2[%dma_start3A_655, %dma_start3A_656] : memref<13310x4096xf32, #tpu.memory_space<hbm>> -> memref<13310x4096xf32, #tpu.memory_space<hbm>>
    tpu.enqueue_indirect_dma source(%dma_start3A_657 : memref<13310x4096xf32, #tpu.memory_space<hbm>>) target(%dma_start3A_652 : memref<8x4096xf32, #tpu.memory_space<vmem>>) offsets(%dma_start3A_654 : memref<8xi32, #tpu.memory_space<vmem>>) semaphore(%arg10 : memref<!tpu.dma_semaphore, #tpu.memory_space<semaphore_mem>>)
    %dma_wait3A_658 = arith.constant 1 : i32
    %dma_wait3A_659 = arith.constant 0 : i32
    %dma_wait3A_660 = arith.constant 0 : i32
    %dma_wait3A_661 = tpu.memref_slice %arg8[%dma_wait3A_658, %dma_wait3A_659, %dma_wait3A_660] : memref<3x8x4096xf32, #tpu.memory_space<vmem>> -> memref<1x8x4096xf32, #tpu.memory_space<vmem>>
    %dma_wait3A_662 = tpu.memref_squeeze %dma_wait3A_661 : memref<1x8x4096xf32, #tpu.memory_space<vmem>> -> memref<8x4096xf32, #tpu.memory_space<vmem>>
    %dma_wait3A_663 = arith.constant 104 : i32
    %dma_wait3A_664 = tpu.memref_slice %arg7[%dma_wait3A_663] : memref<128xi32, #tpu.memory_space<vmem>> -> memref<8xi32, #tpu.memory_space<vmem>>
    %dma_wait3A_665 = arith.constant 0 : i32
    %dma_wait3A_666 = arith.constant 0 : i32
    %dma_wait3A_667 = tpu.memref_slice %arg2[%dma_wait3A_665, %dma_wait3A_666] : memref<13310x4096xf32, #tpu.memory_space<hbm>> -> memref<13310x4096xf32, #tpu.memory_space<hbm>>
    tpu.wait_indirect_dma semaphore(%arg11 : memref<!tpu.dma_semaphore, #tpu.memory_space<semaphore_mem>>) src(%dma_wait3A_667 : memref<13310x4096xf32, #tpu.memory_space<hbm>>) dst(%dma_wait3A_662 : memref<8x4096xf32, #tpu.memory_space<vmem>>)
    %add3A_668 = arith.constant 104 : i32
    %add3A_669 = arith.addi %mul3A_2, %add3A_668 : i32
    %dma_start3A_670 = arith.constant 1 : i32
    %dma_start3A_671 = arith.constant 0 : i32
    %dma_start3A_672 = arith.constant 0 : i32
    %dma_start3A_673 = tpu.memref_slice %arg8[%dma_start3A_670, %dma_start3A_671, %dma_start3A_672] : memref<3x8x4096xf32, #tpu.memory_space<vmem>> -> memref<1x8x4096xf32, #tpu.memory_space<vmem>>
    %dma_start3A_674 = tpu.memref_squeeze %dma_start3A_673 : memref<1x8x4096xf32, #tpu.memory_space<vmem>> -> memref<8x4096xf32, #tpu.memory_space<vmem>>
    %dma_start3A_675 = arith.constant 0 : i32
    %dma_start3A_676 = tpu.memref_slice %arg5[%add3A_669, %dma_start3A_675] : memref<4096x4096xf32, #tpu.memory_space<hbm>> -> memref<8x4096xf32, #tpu.memory_space<hbm>>
    %dma_start3A_677 = arith.constant 0 : i32
    %dma_start3A_678 = tpu.memref_slice %arg5[%add3A_669, %dma_start3A_677] : memref<4096x4096xf32, #tpu.memory_space<hbm>> -> memref<8x4096xf32, #tpu.memory_space<hbm>>
    %dma_start3A_679 = arith.constant 0 : i32
    %dma_start3A_680 = arith.constant 0 : i32
    %dma_start3A_681 = tpu.memref_slice %arg8[%dma_start3A_670, %dma_start3A_679, %dma_start3A_680] : memref<3x8x4096xf32, #tpu.memory_space<vmem>> -> memref<1x8x4096xf32, #tpu.memory_space<vmem>>
    %dma_start3A_682 = tpu.memref_squeeze %dma_start3A_681 : memref<1x8x4096xf32, #tpu.memory_space<vmem>> -> memref<8x4096xf32, #tpu.memory_space<vmem>>
    tpu.enqueue_dma source(%dma_start3A_682 : memref<8x4096xf32, #tpu.memory_space<vmem>>) target(%dma_start3A_678 : memref<8x4096xf32, #tpu.memory_space<hbm>>) target_semaphore(%arg14 : memref<!tpu.dma_semaphore, #tpu.memory_space<semaphore_mem>>)
    %dma_wait3A_683 = arith.constant 2 : i32
    %dma_wait3A_684 = arith.constant 0 : i32
    %dma_wait3A_685 = arith.constant 0 : i32
    %dma_wait3A_686 = tpu.memref_slice %arg8[%dma_wait3A_683, %dma_wait3A_684, %dma_wait3A_685] : memref<3x8x4096xf32, #tpu.memory_space<vmem>> -> memref<1x8x4096xf32, #tpu.memory_space<vmem>>
    %dma_wait3A_687 = tpu.memref_squeeze %dma_wait3A_686 : memref<1x8x4096xf32, #tpu.memory_space<vmem>> -> memref<8x4096xf32, #tpu.memory_space<vmem>>
    %dma_wait3A_688 = arith.constant 112 : i32
    %dma_wait3A_689 = tpu.memref_slice %arg7[%dma_wait3A_688] : memref<128xi32, #tpu.memory_space<vmem>> -> memref<8xi32, #tpu.memory_space<vmem>>
    %dma_wait3A_690 = arith.constant 0 : i32
    %dma_wait3A_691 = arith.constant 0 : i32
    %dma_wait3A_692 = tpu.memref_slice %arg2[%dma_wait3A_690, %dma_wait3A_691] : memref<13310x4096xf32, #tpu.memory_space<hbm>> -> memref<13310x4096xf32, #tpu.memory_space<hbm>>
    tpu.wait_indirect_dma semaphore(%arg12 : memref<!tpu.dma_semaphore, #tpu.memory_space<semaphore_mem>>) src(%dma_wait3A_692 : memref<13310x4096xf32, #tpu.memory_space<hbm>>) dst(%dma_wait3A_687 : memref<8x4096xf32, #tpu.memory_space<vmem>>)
    %add3A_693 = arith.constant 112 : i32
    %add3A_694 = arith.addi %mul3A_2, %add3A_693 : i32
    %dma_start3A_695 = arith.constant 2 : i32
    %dma_start3A_696 = arith.constant 0 : i32
    %dma_start3A_697 = arith.constant 0 : i32
    %dma_start3A_698 = tpu.memref_slice %arg8[%dma_start3A_695, %dma_start3A_696, %dma_start3A_697] : memref<3x8x4096xf32, #tpu.memory_space<vmem>> -> memref<1x8x4096xf32, #tpu.memory_space<vmem>>
    %dma_start3A_699 = tpu.memref_squeeze %dma_start3A_698 : memref<1x8x4096xf32, #tpu.memory_space<vmem>> -> memref<8x4096xf32, #tpu.memory_space<vmem>>
    %dma_start3A_700 = arith.constant 0 : i32
    %dma_start3A_701 = tpu.memref_slice %arg5[%add3A_694, %dma_start3A_700] : memref<4096x4096xf32, #tpu.memory_space<hbm>> -> memref<8x4096xf32, #tpu.memory_space<hbm>>
    %dma_start3A_702 = arith.constant 0 : i32
    %dma_start3A_703 = tpu.memref_slice %arg5[%add3A_694, %dma_start3A_702] : memref<4096x4096xf32, #tpu.memory_space<hbm>> -> memref<8x4096xf32, #tpu.memory_space<hbm>>
    %dma_start3A_704 = arith.constant 0 : i32
    %dma_start3A_705 = arith.constant 0 : i32
    %dma_start3A_706 = tpu.memref_slice %arg8[%dma_start3A_695, %dma_start3A_704, %dma_start3A_705] : memref<3x8x4096xf32, #tpu.memory_space<vmem>> -> memref<1x8x4096xf32, #tpu.memory_space<vmem>>
    %dma_start3A_707 = tpu.memref_squeeze %dma_start3A_706 : memref<1x8x4096xf32, #tpu.memory_space<vmem>> -> memref<8x4096xf32, #tpu.memory_space<vmem>>
    tpu.enqueue_dma source(%dma_start3A_707 : memref<8x4096xf32, #tpu.memory_space<vmem>>) target(%dma_start3A_703 : memref<8x4096xf32, #tpu.memory_space<hbm>>) target_semaphore(%arg15 : memref<!tpu.dma_semaphore, #tpu.memory_space<semaphore_mem>>)
    %dma_wait3A_708 = arith.constant 0 : i32
    %dma_wait3A_709 = arith.constant 0 : i32
    %dma_wait3A_710 = arith.constant 0 : i32
    %dma_wait3A_711 = tpu.memref_slice %arg8[%dma_wait3A_708, %dma_wait3A_709, %dma_wait3A_710] : memref<3x8x4096xf32, #tpu.memory_space<vmem>> -> memref<1x8x4096xf32, #tpu.memory_space<vmem>>
    %dma_wait3A_712 = tpu.memref_squeeze %dma_wait3A_711 : memref<1x8x4096xf32, #tpu.memory_space<vmem>> -> memref<8x4096xf32, #tpu.memory_space<vmem>>
    %dma_wait3A_713 = arith.constant 120 : i32
    %dma_wait3A_714 = tpu.memref_slice %arg7[%dma_wait3A_713] : memref<128xi32, #tpu.memory_space<vmem>> -> memref<8xi32, #tpu.memory_space<vmem>>
    %dma_wait3A_715 = arith.constant 0 : i32
    %dma_wait3A_716 = arith.constant 0 : i32
    %dma_wait3A_717 = tpu.memref_slice %arg2[%dma_wait3A_715, %dma_wait3A_716] : memref<13310x4096xf32, #tpu.memory_space<hbm>> -> memref<13310x4096xf32, #tpu.memory_space<hbm>>
    tpu.wait_indirect_dma semaphore(%arg10 : memref<!tpu.dma_semaphore, #tpu.memory_space<semaphore_mem>>) src(%dma_wait3A_717 : memref<13310x4096xf32, #tpu.memory_space<hbm>>) dst(%dma_wait3A_712 : memref<8x4096xf32, #tpu.memory_space<vmem>>)
    %add3A_718 = arith.constant 120 : i32
    %add3A_719 = arith.addi %mul3A_2, %add3A_718 : i32
    %dma_start3A_720 = arith.constant 0 : i32
    %dma_start3A_721 = arith.constant 0 : i32
    %dma_start3A_722 = arith.constant 0 : i32
    %dma_start3A_723 = tpu.memref_slice %arg8[%dma_start3A_720, %dma_start3A_721, %dma_start3A_722] : memref<3x8x4096xf32, #tpu.memory_space<vmem>> -> memref<1x8x4096xf32, #tpu.memory_space<vmem>>
    %dma_start3A_724 = tpu.memref_squeeze %dma_start3A_723 : memref<1x8x4096xf32, #tpu.memory_space<vmem>> -> memref<8x4096xf32, #tpu.memory_space<vmem>>
    %dma_start3A_725 = arith.constant 0 : i32
    %dma_start3A_726 = tpu.memref_slice %arg5[%add3A_719, %dma_start3A_725] : memref<4096x4096xf32, #tpu.memory_space<hbm>> -> memref<8x4096xf32, #tpu.memory_space<hbm>>
    %dma_start3A_727 = arith.constant 0 : i32
    %dma_start3A_728 = tpu.memref_slice %arg5[%add3A_719, %dma_start3A_727] : memref<4096x4096xf32, #tpu.memory_space<hbm>> -> memref<8x4096xf32, #tpu.memory_space<hbm>>
    %dma_start3A_729 = arith.constant 0 : i32
    %dma_start3A_730 = arith.constant 0 : i32
    %dma_start3A_731 = tpu.memref_slice %arg8[%dma_start3A_720, %dma_start3A_729, %dma_start3A_730] : memref<3x8x4096xf32, #tpu.memory_space<vmem>> -> memref<1x8x4096xf32, #tpu.memory_space<vmem>>
    %dma_start3A_732 = tpu.memref_squeeze %dma_start3A_731 : memref<1x8x4096xf32, #tpu.memory_space<vmem>> -> memref<8x4096xf32, #tpu.memory_space<vmem>>
    tpu.enqueue_dma source(%dma_start3A_732 : memref<8x4096xf32, #tpu.memory_space<vmem>>) target(%dma_start3A_728 : memref<8x4096xf32, #tpu.memory_space<hbm>>) target_semaphore(%arg13 : memref<!tpu.dma_semaphore, #tpu.memory_space<semaphore_mem>>)
    %dma_wait3A_733 = arith.constant 1 : i32
    %dma_wait3A_734 = arith.constant 0 : i32
    %dma_wait3A_735 = arith.constant 0 : i32
    %dma_wait3A_736 = tpu.memref_slice %arg8[%dma_wait3A_733, %dma_wait3A_734, %dma_wait3A_735] : memref<3x8x4096xf32, #tpu.memory_space<vmem>> -> memref<1x8x4096xf32, #tpu.memory_space<vmem>>
    %dma_wait3A_737 = tpu.memref_squeeze %dma_wait3A_736 : memref<1x8x4096xf32, #tpu.memory_space<vmem>> -> memref<8x4096xf32, #tpu.memory_space<vmem>>
    %dma_wait3A_738 = arith.constant 0 : i32
    %dma_wait3A_739 = tpu.memref_slice %arg5[%add3A_669, %dma_wait3A_738] : memref<4096x4096xf32, #tpu.memory_space<hbm>> -> memref<8x4096xf32, #tpu.memory_space<hbm>>
    %dma_wait3A_740 = arith.constant 0 : i32
    %dma_wait3A_741 = tpu.memref_slice %arg5[%add3A_669, %dma_wait3A_740] : memref<4096x4096xf32, #tpu.memory_space<hbm>> -> memref<8x4096xf32, #tpu.memory_space<hbm>>
    %dma_wait3A_742 = arith.constant 0 : i32
    %dma_wait3A_743 = arith.constant 0 : i32
    %dma_wait3A_744 = tpu.memref_slice %arg8[%dma_wait3A_733, %dma_wait3A_742, %dma_wait3A_743] : memref<3x8x4096xf32, #tpu.memory_space<vmem>> -> memref<1x8x4096xf32, #tpu.memory_space<vmem>>
    %dma_wait3A_745 = tpu.memref_squeeze %dma_wait3A_744 : memref<1x8x4096xf32, #tpu.memory_space<vmem>> -> memref<8x4096xf32, #tpu.memory_space<vmem>>
    tpu.wait_dma2 semaphore(%arg14 : memref<!tpu.dma_semaphore, #tpu.memory_space<semaphore_mem>>) src(%dma_wait3A_745 : memref<8x4096xf32, #tpu.memory_space<vmem>>) dst(%dma_wait3A_741 : memref<8x4096xf32, #tpu.memory_space<hbm>>)
    %dma_wait3A_746 = arith.constant 2 : i32
    %dma_wait3A_747 = arith.constant 0 : i32
    %dma_wait3A_748 = arith.constant 0 : i32
    %dma_wait3A_749 = tpu.memref_slice %arg8[%dma_wait3A_746, %dma_wait3A_747, %dma_wait3A_748] : memref<3x8x4096xf32, #tpu.memory_space<vmem>> -> memref<1x8x4096xf32, #tpu.memory_space<vmem>>
    %dma_wait3A_750 = tpu.memref_squeeze %dma_wait3A_749 : memref<1x8x4096xf32, #tpu.memory_space<vmem>> -> memref<8x4096xf32, #tpu.memory_space<vmem>>
    %dma_wait3A_751 = arith.constant 0 : i32
    %dma_wait3A_752 = tpu.memref_slice %arg5[%add3A_694, %dma_wait3A_751] : memref<4096x4096xf32, #tpu.memory_space<hbm>> -> memref<8x4096xf32, #tpu.memory_space<hbm>>
    %dma_wait3A_753 = arith.constant 0 : i32
    %dma_wait3A_754 = tpu.memref_slice %arg5[%add3A_694, %dma_wait3A_753] : memref<4096x4096xf32, #tpu.memory_space<hbm>> -> memref<8x4096xf32, #tpu.memory_space<hbm>>
    %dma_wait3A_755 = arith.constant 0 : i32
    %dma_wait3A_756 = arith.constant 0 : i32
    %dma_wait3A_757 = tpu.memref_slice %arg8[%dma_wait3A_746, %dma_wait3A_755, %dma_wait3A_756] : memref<3x8x4096xf32, #tpu.memory_space<vmem>> -> memref<1x8x4096xf32, #tpu.memory_space<vmem>>
    %dma_wait3A_758 = tpu.memref_squeeze %dma_wait3A_757 : memref<1x8x4096xf32, #tpu.memory_space<vmem>> -> memref<8x4096xf32, #tpu.memory_space<vmem>>
    tpu.wait_dma2 semaphore(%arg15 : memref<!tpu.dma_semaphore, #tpu.memory_space<semaphore_mem>>) src(%dma_wait3A_758 : memref<8x4096xf32, #tpu.memory_space<vmem>>) dst(%dma_wait3A_754 : memref<8x4096xf32, #tpu.memory_space<hbm>>)
    %dma_wait3A_759 = arith.constant 0 : i32
    %dma_wait3A_760 = arith.constant 0 : i32
    %dma_wait3A_761 = arith.constant 0 : i32
    %dma_wait3A_762 = tpu.memref_slice %arg8[%dma_wait3A_759, %dma_wait3A_760, %dma_wait3A_761] : memref<3x8x4096xf32, #tpu.memory_space<vmem>> -> memref<1x8x4096xf32, #tpu.memory_space<vmem>>
    %dma_wait3A_763 = tpu.memref_squeeze %dma_wait3A_762 : memref<1x8x4096xf32, #tpu.memory_space<vmem>> -> memref<8x4096xf32, #tpu.memory_space<vmem>>
    %dma_wait3A_764 = arith.constant 0 : i32
    %dma_wait3A_765 = tpu.memref_slice %arg5[%add3A_719, %dma_wait3A_764] : memref<4096x4096xf32, #tpu.memory_space<hbm>> -> memref<8x4096xf32, #tpu.memory_space<hbm>>
    %dma_wait3A_766 = arith.constant 0 : i32
    %dma_wait3A_767 = tpu.memref_slice %arg5[%add3A_719, %dma_wait3A_766] : memref<4096x4096xf32, #tpu.memory_space<hbm>> -> memref<8x4096xf32, #tpu.memory_space<hbm>>
    %dma_wait3A_768 = arith.constant 0 : i32
    %dma_wait3A_769 = arith.constant 0 : i32
    %dma_wait3A_770 = tpu.memref_slice %arg8[%dma_wait3A_759, %dma_wait3A_768, %dma_wait3A_769] : memref<3x8x4096xf32, #tpu.memory_space<vmem>> -> memref<1x8x4096xf32, #tpu.memory_space<vmem>>
    %dma_wait3A_771 = tpu.memref_squeeze %dma_wait3A_770 : memref<1x8x4096xf32, #tpu.memory_space<vmem>> -> memref<8x4096xf32, #tpu.memory_space<vmem>>
    tpu.wait_dma2 semaphore(%arg13 : memref<!tpu.dma_semaphore, #tpu.memory_space<semaphore_mem>>) src(%dma_wait3A_771 : memref<8x4096xf32, #tpu.memory_space<vmem>>) dst(%dma_wait3A_767 : memref<8x4096xf32, #tpu.memory_space<hbm>>)
    %dma_wait3A_772 = arith.constant 0 : i32
    %dma_wait3A_773 = arith.constant 0 : i32
    %dma_wait3A_774 = tpu.memref_slice %arg3[%dma_wait3A_772, %dma_wait3A_773] : memref<13310x128xf32, #tpu.memory_space<hbm>> -> memref<13310x128xf32, #tpu.memory_space<hbm>>
    tpu.wait_indirect_dma semaphore(%arg16 : memref<!tpu.dma_semaphore, #tpu.memory_space<semaphore_mem>>) src(%dma_wait3A_774 : memref<13310x128xf32, #tpu.memory_space<hbm>>) dst(%arg9 : memref<128x128xf32, #tpu.memory_space<vmem>>)
    "tpu.region"() ({
      %run_scoped3A = tpu.sem_alloc : memref<!tpu.dma_semaphore, #tpu.memory_space<semaphore_mem>>
      %dma_start3A_775 = arith.constant 0 : i32
      %dma_start3A_776 = tpu.memref_slice %arg6[%mul3A_2, %dma_start3A_775] : memref<4096x128xf32, #tpu.memory_space<hbm>> -> memref<128x128xf32, #tpu.memory_space<hbm>>
      %dma_start3A_777 = arith.constant 0 : i32
      %dma_start3A_778 = tpu.memref_slice %arg6[%mul3A_2, %dma_start3A_777] : memref<4096x128xf32, #tpu.memory_space<hbm>> -> memref<128x128xf32, #tpu.memory_space<hbm>>
      tpu.enqueue_dma source(%arg9 : memref<128x128xf32, #tpu.memory_space<vmem>>) target(%dma_start3A_778 : memref<128x128xf32, #tpu.memory_space<hbm>>) target_semaphore(%run_scoped3A : memref<!tpu.dma_semaphore, #tpu.memory_space<semaphore_mem>>)
      %dma_wait3A_779 = arith.constant 0 : i32
      %dma_wait3A_780 = tpu.memref_slice %arg6[%mul3A_2, %dma_wait3A_779] : memref<4096x128xf32, #tpu.memory_space<hbm>> -> memref<128x128xf32, #tpu.memory_space<hbm>>
      %dma_wait3A_781 = arith.constant 0 : i32
      %dma_wait3A_782 = tpu.memref_slice %arg6[%mul3A_2, %dma_wait3A_781] : memref<4096x128xf32, #tpu.memory_space<hbm>> -> memref<128x128xf32, #tpu.memory_space<hbm>>
      tpu.wait_dma2 semaphore(%run_scoped3A : memref<!tpu.dma_semaphore, #tpu.memory_space<semaphore_mem>>) src(%arg9 : memref<128x128xf32, #tpu.memory_space<vmem>>) dst(%dma_wait3A_782 : memref<128x128xf32, #tpu.memory_space<hbm>>)
      tpu.yield
    }) : () -> ()
    return
  }
}

</mosaic_0001>

<sc_bundles>
// kernel: kernel.3.cloned.1.call-start
scs
__scs_entry_jumppad:
0x0: {  	(pc) =	sbr.rel $0x88, $3  }
0x1: {  	(tag) =	ssettag $0x0;
	lr =	simm.s32 $0x1  }
0x2: {  	[smem:$0x3F9E] =	sst lr;
	_ =	strace $0xD0000000  }
0x3: {  	_ = 	snop  }
0x4: {  	_ = 	snop  }
0x5: {  	_ = 	snop  }
0x6: {  	_ = 	snop  }
0x7: {  	_ = 	snop  }
__scs_overlays_trampoline_lowered:
0x8: {  	[smem:$0x3FAD] =	sst s0  }
0x9: {  	[smem:$0x3FAE] =	sst s1  }
0xa: {  	[smem:$0x3FAF] =	sst s2  }
0xb: {  	[smem:$0x3FB0] =	sst s3  }
0xc: {  	[smem:$0x3FB1] =	sst s4  }
0xd: {  	[smem:$0x3FB2] =	sst s5  }
0xe: {  	[smem:$0x3FB3] =	sst s6  }
0xf: {  	[smem:$0x3FB4] =	sst s7  }
0x10: {  	[smem:$0x3FB5] =	sst s8  }
0x11: {  	[smem:$0x3FB6] =	sst s9;
	s0 =	simm.s32 @!p0 $0x0  }
0x12: {  	s1 =	sld [smem:$0x3F9C];
	s0 =	simm.s32 @p0 $0x1  }
0x13: {  	[smem:$0x3FB7] =	sst s0;
	s0 =	simm.s32 @!p1 $0x0  }
0x14: {  	s2 =	sld [smem:$0x3F9B];
	s0 =	simm.s32 @p1 $0x1  }
0x15: {  	[smem:$0x3FB8] =	sst s0;
	s0 =	simm.s32 @!p2 $0x0  }
0x16: {  	s3 =	sld [smem:$0x3FDB];
	s0 =	simm.s32 @p2 $0x1  }
0x17: {  	s4 =	simm.s32 $0x1BF5;
	[smem:$0x3FBA] =	sst s0  }
0x18: {  	s0 =	sld [smem:$0x3F9D];
	_ =	swait.ge [sflag:s4], $0x0  }
0x19: {  	s7 =	sld [smem:$0x3F9E]  }
0x1a: {  	s8 =	sadd.s32 $0xFFFFE003, lr  }
0x1b: {  	s9 =	sadd.s32 $0xFFFFFEF7, lr;
	s5 =	simm.s32 $0xFFFFFFFF;
	p2 =	slt.u32 s8, $0xFFFFF086  }
0x1c: {  	p1 =	slt.u32 s9, $0xF7A;
	s5 =	simm.s32 @!p2 $0x0  }
0x1d: {  	s5 =	simm.s32 @p1 $0x1;
	p0 =	seq.s32 s7, s2  }
0x1e: {  	s7 =	smul.u32 @!p0 $0xF7A, s2;
	p2 =	seq.s32 @!p0 s5, $0x0  }
0x1f: {  	s9 =	smul.u32 $0xF7A, s1;
	s8 =	simm.s32 @!p0 $0x1BF5;
	p2 =	por !p2, p0  }
0x20: {  	[sflag:s8] =	ssyncset.s32 @!p0 $0xFFFFF086;
	s6 =	sadd.s32 @!p0 s3, s7;
	s7 =	simm.s32 @!p0 $0x108  }
0x21: {  	s3 =	sadd.s32 s3, s9;
	s6 =	sadd.s32 @!p0 $0x88, s6;
	s7 =	simm.s32 @p2 $0x1082  }
0x22: {  	[simem:s7], [sflag:s8] =	dma.local @!p0 [hbm:s6], $0xF7A  }
0x23: {  	s9 =	sor.u32 $0xD0000000, s2;
	s6 =	simm.s32 $0x108;
	_ =	swait.ge @!p0 [sflag:s8], $0x0  }
0x24: {  	s3 =	sadd.s32 $0x88, s3;
	s6 =	simm.s32 @!p1 $0x1082;
	[sflag:s4] =	ssyncset.s32 $0xFFFFF086  }
0x25: {  	[simem:s6], [sflag:s4] =	dma.local [hbm:s3], $0xF7A  }
0x26: {  	[smem:$0x3F9E] =	sst s1;
	(tag) =	ssettag s2;
	_ =	strace s9  }
0x27: {  	s1 =	sld [smem:$0x3FAE]  }
0x28: {  	s2 =	sld [smem:$0x3FAF]  }
0x29: {  	s4 =	sld [smem:$0x3FB1]  }
0x2a: {  	p0 =	seq.s32 s5, $0x0;
	s5 =	sld [smem:$0x3FB2]  }
0x2b: {  	s6 =	sld [smem:$0x3FB3]  }
0x2c: {  	s7 =	sld [smem:$0x3FB4]  }
0x2d: {  	s3 =	simm.s32 $0x108;
	s8 =	sld [smem:$0x3FB5]  }
0x2e: {  	s3 =	simm.s32 @!p0 $0x1082;
	s9 =	sld [smem:$0x3FB6]  }
0x2f: {  	lr =	sadd.s32 s0, s3;
	s0 =	sld [smem:$0x3FAD]  }
0x30: {  	s3 =	sld [smem:$0x3FB0]  }
0x31: {  	[smem:$0x3FB9] =	sst s10  }
0x32: {  	s10 =	sld [smem:$0x3FB7];
	_ =	sdelay $0x3  }
0x33: {  	p0 =	seq.s32 s10, $0x1;
	s10 =	sld [smem:$0x3FB9];
	_ =	sdelay $0x3  }
0x34: {  	[smem:$0x3FB9] =	sst s10  }
0x35: {  	s10 =	sld [smem:$0x3FB8];
	_ =	sdelay $0x3  }
0x36: {  	p1 =	seq.s32 s10, $0x1;
	s10 =	sld [smem:$0x3FB9];
	_ =	sdelay $0x3  }
0x37: {  	[smem:$0x3FB9] =	sst s10  }
0x38: {  	s10 =	sld [smem:$0x3FBA]  }
0x39: {  	_ = 	snop;
	(pc) =	sbr.ind lr, $3  }
0x3a: {  	_ = 	snop  }
0x3b: {  	_ = 	snop  }
0x3c: {  	p2 =	seq.s32 s10, $0x1;
	s10 =	sld [smem:$0x3FB9]  }
0x3d: {  	_ =	shalt  }
0x3e: {  	_ =	shalt  }
0x3f: {  	_ =	shalt  }
0x40: {  	_ =	shalt  }
0x41: {  	_ =	shalt  }
0x42: {  	_ =	shalt  }
0x43: {  	_ =	shalt  }
0x44: {  	_ =	shalt  }
0x45: {  	_ =	shalt  }
0x46: {  	_ =	shalt  }
0x47: {  	_ =	shalt  }
0x48: {  	_ =	shalt  }
0x49: {  	_ =	shalt  }
0x4a: {  	_ =	shalt  }
0x4b: {  	_ =	shalt  }
0x4c: {  	_ =	shalt  }
0x4d: {  	_ =	shalt  }
0x4e: {  	_ =	shalt  }
0x4f: {  	_ =	shalt  }
0x50: {  	_ =	shalt  }
0x51: {  	_ =	shalt  }
0x52: {  	_ =	shalt  }
0x53: {  	_ =	shalt  }
0x54: {  	_ =	shalt  }
0x55: {  	_ =	shalt  }
0x56: {  	_ =	shalt  }
0x57: {  	_ =	shalt  }
0x58: {  	_ =	shalt  }
0x59: {  	_ =	shalt  }
0x5a: {  	_ =	shalt  }
0x5b: {  	_ =	shalt  }
0x5c: {  	_ =	shalt  }
0x5d: {  	_ =	shalt  }
0x5e: {  	_ =	shalt  }
0x5f: {  	_ =	shalt  }
0x60: {  	_ =	shalt  }
0x61: {  	_ =	shalt  }
0x62: {  	_ =	shalt  }
0x63: {  	_ =	shalt  }
0x64: {  	_ =	shalt  }
0x65: {  	_ =	shalt  }
0x66: {  	_ =	shalt  }
0x67: {  	_ =	shalt  }
0x68: {  	_ =	shalt  }
0x69: {  	_ =	shalt  }
0x6a: {  	_ =	shalt  }
0x6b: {  	_ =	shalt  }
0x6c: {  	_ =	shalt  }
0x6d: {  	_ =	shalt  }
0x6e: {  	_ =	shalt  }
0x6f: {  	_ =	shalt  }
0x70: {  	_ =	shalt  }
0x71: {  	_ =	shalt  }
0x72: {  	_ =	shalt  }
0x73: {  	_ =	shalt  }
0x74: {  	_ =	shalt  }
0x75: {  	_ =	shalt  }
0x76: {  	_ =	shalt  }
0x77: {  	_ =	shalt  }
0x78: {  	_ =	shalt  }
0x79: {  	_ =	shalt  }
0x7a: {  	_ =	shalt  }
0x7b: {  	_ =	shalt  }
0x7c: {  	_ =	shalt  }
0x7d: {  	_ =	shalt  }
0x7e: {  	_ =	shalt  }
0x7f: {  	_ =	shalt  }
0x80: {  	_ =	shalt  }
0x81: {  	_ =	shalt  }
0x82: {  	_ =	shalt  }
0x83: {  	_ =	shalt  }
0x84: {  	_ =	shalt  }
0x85: {  	_ =	shalt  }
0x86: {  	_ =	shalt  }
0x87: {  	_ =	shalt  }
.Lfunc_end0:
.L_simem_size_0:
called_computation_lowered:
.L_overlay_start_0:
0x88: {  	s2 =	sld [smem:$0x3FD9]  }
0x89: {  	s3 =	sld [smem:$0x3FFE];
	_ =	sdelay $0x1  }
0x8a: {  	s1 =	srdreg.scid  }
0x8b: {  	s0 =	sand.u32 $0x1, s1  }
0x8c: {  	s14 =	sshll.u32 s0, $0xA;
	s2 =	sadd.s32 s3, s2  }
0x8d: {  	s2 =	sadd.s32 s2, s14  }
0x8e: {  	[smem:$0x3FC5] =	sst s2  }
0x8f: {  	_ = 	snop  }
0x90: {  	s2 =	sld [smem:$0x3FD0];
	_ =	sdelay $0x2  }
0x91: {  	s4 =	simm.s32 $0xA;
	s5 =	simm.s32 $0x10;
	s15 =	sld [smem:$0x3FC7]  }
0x92: {  	[smem:s5], [sflag:s4] =	dma.local [hbm:s2], $0x1  }
0x93: {  	_ =	swait.eq [sflag:s4], $0x1  }
0x94: {  	[sflag:s4] =	ssyncset.done $0x0  }
0x95: {  	[sflag:s4] =	ssyncadd.s32 $0xFFFFFFFF  }
0x96: {  	s16 =	sld [smem:$0x10];
	(tm) =	ssettm $0x1  }
0x97: {  	s17 =	sld [smem:$0x3FFB];
	_ =	sdelay $0x3  }
0x98: {  	_ =	strace s17  }
0x99: {  	s4 =	sld [smem:$0x3FFC];
	_ =	sdelay $0x3  }
0x9a: {  	_ =	strace s4  }
0x9b: {  	s4 =	sld [smem:$0x3FFD];
	_ =	sdelay $0x3  }
0x9c: {  	_ =	strace s4  }
0x9d: {  	_ =	strace $0x8FFFFFFF  }
0x9e: {  	s18 =	sld [smem:$0x3FDB];
	_ =	sdelay $0x1  }
0x9f: {  	s19 =	simm.s32 $_scs_section_size  }
0xa0: {  	s6 =	simm.s32 $_size__tile_overlayer_lowered;
	s7 =	simm.s32 $_tile_overlayer_lowered  }
0xa1: {  	s22 =	simm.s32 $0x1BFF;
	s21 =	sshll.u32 s7, $0x1;
	s4 =	sadd.s32 s19, s18  }
0xa2: {  	s8 =	simm.s32 $0x0;
	s20 =	sshll.u32 s6, $0x1;
	s6 =	sadd.s32 s21, s4  }
0xa3: {  	[timem:s8], [sflag:s22] =	dma.local [hbm:s6], s20  }
0xa4: {  	_ =	swait.ge [sflag:s22], s20  }
0xa5: {  	s5 =	ssub.s32 $0x0, s20;
	[sflag:s22] =	ssyncset.done $0x0  }
0xa6: {  	[sflag:s22] =	ssyncadd.s32 s5;
	_ =	sdelay $0x1  }
0xa7: {  	s23 =	simm.s32 $0x1B8B  }
0xa8: {  	_ =	swait.ge [sflag:s23], $0x1  }
0xa9: {  	[sflag:s23] =	ssyncset.done $0x0  }
0xaa: {  	s25 =	simm.s32 $0x1B8E;
	s24 =	sld [smem:$0x3FFE];
	[sflag:s23] =	ssyncadd.s32 $0xFFFFFFFF  }
0xab: {  	s26 =	simm.s32 $execute0_lowered;
	[smem:$0x3FD2] =	sst s25  }
0xac: {  	s6 =	sshll.u32 s26, $0x1;
	_ =	strace $0x80000046;
	[dreg:$0x1] =	wrdreg $0xFFFFFFFF  }
0xad: {  	s28 =	simm.s32 $_size_execute0_lowered;
	s4 =	sadd.s32 s4, s6;
	[dreg:$0x0] =	wrdreg $0x0  }
0xae: {  	s6 =	sshll.u32 s28, $0x1;
	[dreg:$0x2] =	wrdreg s4  }
0xaf: {  	[dreg:$0x3] =	wrdreg s6  }
0xb0: {  	[dreg:$0x4] =	wrdreg $0xC0  }
0xb1: {  	_ =	task [dreg:s8], $0x5FFFF  }
0xb2: {  	[dreg:$0x1] =	wrdreg $0xFFFFFFFF  }
0xb3: {  	[dreg:$0x0] =	wrdreg $0x60  }
0xb4: {  	[dreg:$0x2] =	wrdreg s24  }
0xb5: {  	[dreg:$0x3] =	wrdreg s16  }
0xb6: {  	[dreg:$0x4] =	wrdreg s15  }
0xb7: {  	[dreg:$0x5] =	wrdreg $0x9  }
0xb8: {  	_ =	task.clear_ibuf [dreg:s8], $0x6FFFF;
	_ =	strace $0x90000046  }
0xb9: {  	s29 =	simm.s32 $0x9;
	_ =	strace $0x80000048  }
0xba: {  	_ =	swait.ge [sflag:s29], $0x1  }
0xbb: {  	[sflag:s29] =	ssyncadd.s32 $0xFFFFFFFF  }
0xbc: {  	_ =	strace $0x90000048  }
0xbd: {  	_ =	sfence  }
0xbe: {  	s30 =	sld [smem:$0x0];
	_ =	sdelay $0x2  }
0xbf: {  	s31 =	sshll.u32 s1, $0xD;
	s1 =	sshrl.u32 s1, $0x2  }
0xc0: {  	s3 =	sand.u32 $0x4000, s31;
	s1 =	sadd.s32 s1, s30  }
0xc1: {  	s0 =	sor.u32 s3, s0;
	s1 =	sshll.u32 s1, $0x11  }
0xc2: {  	s0 =	sor.u32 s1, s0  }
0xc3: {  	s0 =	sadd.s32 $0x8F2B, s0  }
0xc4: {  	[sflag:s0] =	ssyncadd.remote.s32 $0x1  }
0xc5: {  	_ =	sfence.sel $0xFFFF  }
0xc6: {  	[dreg:$0x0] =	wrdreg $0xFFFFFFFF;
	(pc) =	sbr.abs _section_cstart, $3  }
0xc7: {  	[dreg:$0x1] =	wrdreg $0xFFFFFFFF  }
0xc8: {  	_ =	task.clear_ibuf [dreg:s8], $0x2FFFF;
	_ =	strace $0x9FFFFFFF  }
0xc9: {  	(tm) =	ssettm $0x7FFFFFFF  }
tec
execute0_lowered:
.L_overlay_start_1:
0x0: {  	(tag) =	ssettag $0x1  }
0x1: {  	s0 =	rddreg [dreg:$0x0]  }
0x2: {  	s1 =	rddreg [dreg:$0x1]  }
0x3: {  	s26 =	rddreg [dreg:$0x2];
	s3 =	srdreg.scid;
	s2 =	simm.s32 $0x0  }
0x4: {  	s5 =	stileid.u32;
	s29 =	simm.s32 $0x1;
	s30 =	simm.s32 $0x4  }
0x5: {  	s31 =	simm.s32 $0x2;
	s28 =	simm.s32 $0x8080;
	s4 =	sand.u32 $0x1, s3  }
0x6: {  	[dreg:$0x4] =	wrdreg s1;
	s5 =	sshll.u32 s5, $0x8;
	s6 =	sshll.u32 s4, $0x7  }
0x7: {  	[smem:$0x7FF] =	sst s2;
	s3 =	sadd.s32 $0xA00, s0;
	s5 =	sor.u32 s6, s5  }
0x8: {  	_ =	strace $0x80000047;
	s4 =	ssub.s32 $0x2, s4;
	s6 =	sshll.u32 s5, $0x9  }
0x9: {  	s7 =	sshll.u32 s5, $0x4;
	s5 =	sshrl.u32 s5, $0x3;
	s17 =	sadd.s32 s6, s0  }
0xa: {  	s18 =	sadd.s32 s7, s0;
	s1 =	sadd.s32 s26, s5;
	s7 =	sshrl.u32 s4, $0x1  }
0xb: {  	s5 =	sadd.s32 $0xC00, s0;
	[dreg:$0x5] =	wrdreg s1;
	s6 =	sadd.s32 $0x680A00, s17  }
0xc: {  	s8 =	sadd.s32 $0x681A00, s17;
	s19 =	ssub.s32 s4, s7;
	[dreg:$0x6] =	wrdreg s6  }
0xd: {  	s9 =	sadd.s32 $0x682A00, s17;
	s4 =	sadd.s32 $0xB00, s0;
	[dreg:$0x7] =	wrdreg s8  }
0xe: {  	s10 =	sadd.s32 $0x683A00, s17;
	s11 =	sadd.s32 $0x684A00, s17;
	[dreg:$0x8] =	wrdreg s9  }
0xf: {  	s12 =	sadd.s32 $0x685A00, s17;
	s7 =	sadd.s32 $0xE00, s0;
	[dreg:$0x9] =	wrdreg s10  }
0x10: {  	s13 =	sadd.s32 $0x686A00, s17;
	s14 =	sadd.s32 $0x687A00, s17;
	[dreg:$0xa] =	wrdreg s11  }
0x11: {  	s15 =	sadd.s32 $0x688A00, s17;
	s16 =	sadd.s32 $0x689A00, s17;
	[dreg:$0xb] =	wrdreg s12  }
0x12: {  	s20 =	sadd.s32 $0x68AA00, s17;
	s21 =	sadd.s32 $0x68BA00, s17;
	[dreg:$0xc] =	wrdreg s13  }
0x13: {  	s22 =	sadd.s32 $0x68CA00, s17;
	s23 =	sadd.s32 $0x68DA00, s17;
	[dreg:$0xd] =	wrdreg s14  }
0x14: {  	s24 =	sadd.s32 $0x68EA00, s17;
	s25 =	sadd.s32 $0x68FA00, s17;
	[dreg:$0xe] =	wrdreg s15  }
0x15: {  	s17 =	sadd.s32 $0x1800, s0;
	s26 =	sadd.s32 $0x880A00, s18;
	[dreg:$0xf] =	wrdreg s16  }
0x16: {  	s18 =	sadd.s32 $0x1900, s0;
	s1 =	simm.s32 $0x3;
	[dreg:$0x10] =	wrdreg s20  }
0x17: {  	s6 =	sadd.s32 $0xD00, s0;
	s8 =	sadd.s32 $0xF00, s0;
	[dreg:$0x11] =	wrdreg s21  }
0x18: {  	s9 =	sadd.s32 $0x1000, s0;
	s10 =	sadd.s32 $0x1100, s0;
	[dreg:$0x12] =	wrdreg s22  }
0x19: {  	s11 =	sadd.s32 $0x1200, s0;
	s12 =	sadd.s32 $0x1300, s0;
	[dreg:$0x13] =	wrdreg s23  }
0x1a: {  	s13 =	sadd.s32 $0x1400, s0;
	s14 =	sadd.s32 $0x1500, s0;
	[dreg:$0x14] =	wrdreg s24  }
0x1b: {  	v0 =	vlaneseq.u32;
	s15 =	sadd.s32 $0x1600, s0;
	s16 =	sadd.s32 $0x1700, s0;
	[dreg:$0x15] =	wrdreg s25  }
0x1c: {  	v1 =	vshrl.u32 v0, $0x3;
	[dreg:$0x16] =	wrdreg s26;
	s19 =	smax.u32 s19, $0x1;
	s24 =	simm.s32 $0x80  }
0x1d: {  	vm0 =	vmmov $0xffff;
	v0 =	vand.u32 $0x7, v0;
	v1 =	vmul.u32 $0x8, v1;
	s0 =	simm.s32 $0x5;
	s22 =	simm.s32 $0x6;
	s21 =	simm.s32 $0x10080  }
.LBB2_1:
0x1e: {  	s20 =	rddreg [dreg:$0x5];
	s23 =	simm.s32 $0x8  }
0x1f: {  	[tilespmem:s2], [sflag:$0x8] =	stream.linear.gather [hbm4b:s20+s2], $0x80, $0x38;
	[tilespmem:$0x1C080] =	vst v63  }
0x20: {  	_ =	swait.ge [sflag:s23], $0x80  }
0x21: {  	[sflag:s23] =	ssyncset.done $0x0  }
0x22: {  	s25 =	simm.s32 $0x18080;
	s26 =	rddreg [dreg:$0x4];
	[sflag:s23] =	ssyncadd.s32 $0xFFFFFF80  }
0x23: {  	[tilespmem:s25], [sflag:$0x7] =	stream.indirect.gather [hbm4b:s26+s24], $0x80, s2, s24, $0xb8;
	[tilespmem:$0x1C080] =	vst v63  }
0x24: {  	v2 =	vld.msk [tilespmem:$0x0], $0xff;
	_ =	sdelay $0x4  }
0x25: {  	v3 =	vshll.u32 v2, $0x5  }
0x26: {  	v2 =	vand.u32 $0x7, v2;
	v3 =	vand.u32 $0xFFFFFF00, v3  }
0x27: {  	v2 =	vor.u32 v2, v3  }
0x28: {  	v2 =	vperm.xlane v2, v0;
	_ =	sdelay $0x1  }
0x29: {  	v2 =	vadd.s32 v1, v2;
	_ =	sdelay $0x4  }
0x2a: {  	[tilespmem:s24], [sflag:$0x1] =	stream.indirect_vreg.gather [hbm4b:s3+s2], $0x80, v2, vm0, $0xb8;
	[tilespmem:$0x1C080] =	vst v63  }
0x2b: {  	s26 =	simm.s32 $0x880  }
0x2c: {  	[tilespmem:s26], [sflag:$0x1] =	stream.indirect_vreg.gather [hbm4b:s4+s2], $0x80, v2, vm0, $0xb8;
	[tilespmem:$0x1C080] =	vst v63  }
0x2d: {  	s23 =	simm.s32 $0x1080  }
0x2e: {  	[tilespmem:s23], [sflag:$0x1] =	stream.indirect_vreg.gather [hbm4b:s5+s2], $0x80, v2, vm0, $0xb8;
	[tilespmem:$0x1C080] =	vst v63  }
0x2f: {  	s25 =	simm.s32 $0x1880  }
0x30: {  	[tilespmem:s25], [sflag:$0x1] =	stream.indirect_vreg.gather [hbm4b:s6+s2], $0x80, v2, vm0, $0xb8;
	[tilespmem:$0x1C080] =	vst v63  }
0x31: {  	s26 =	simm.s32 $0x2080  }
0x32: {  	[tilespmem:s26], [sflag:$0x1] =	stream.indirect_vreg.gather [hbm4b:s7+s2], $0x80, v2, vm0, $0xb8;
	[tilespmem:$0x1C080] =	vst v63  }
0x33: {  	s23 =	simm.s32 $0x2880  }
0x34: {  	[tilespmem:s23], [sflag:$0x1] =	stream.indirect_vreg.gather [hbm4b:s8+s2], $0x80, v2, vm0, $0xb8;
	[tilespmem:$0x1C080] =	vst v63  }
0x35: {  	s23 =	simm.s32 $0x3080  }
0x36: {  	[tilespmem:s23], [sflag:$0x1] =	stream.indirect_vreg.gather [hbm4b:s9+s2], $0x80, v2, vm0, $0xb8;
	[tilespmem:$0x1C080] =	vst v63  }
0x37: {  	s23 =	simm.s32 $0x3880  }
0x38: {  	[tilespmem:s23], [sflag:$0x1] =	stream.indirect_vreg.gather [hbm4b:s10+s2], $0x80, v2, vm0, $0xb8;
	[tilespmem:$0x1C080] =	vst v63  }
0x39: {  	s23 =	simm.s32 $0x4080  }
0x3a: {  	[tilespmem:s23], [sflag:$0x1] =	stream.indirect_vreg.gather [hbm4b:s11+s2], $0x80, v2, vm0, $0xb8;
	[tilespmem:$0x1C080] =	vst v63  }
0x3b: {  	s23 =	simm.s32 $0x4880  }
0x3c: {  	[tilespmem:s23], [sflag:$0x1] =	stream.indirect_vreg.gather [hbm4b:s12+s2], $0x80, v2, vm0, $0xb8;
	[tilespmem:$0x1C080] =	vst v63  }
0x3d: {  	s23 =	simm.s32 $0x5080  }
0x3e: {  	[tilespmem:s23], [sflag:$0x1] =	stream.indirect_vreg.gather [hbm4b:s13+s2], $0x80, v2, vm0, $0xb8;
	[tilespmem:$0x1C080] =	vst v63  }
0x3f: {  	s23 =	simm.s32 $0x5880  }
0x40: {  	[tilespmem:s23], [sflag:$0x1] =	stream.indirect_vreg.gather [hbm4b:s14+s2], $0x80, v2, vm0, $0xb8;
	[tilespmem:$0x1C080] =	vst v63  }
0x41: {  	s23 =	simm.s32 $0x6080  }
0x42: {  	[tilespmem:s23], [sflag:$0x1] =	stream.indirect_vreg.gather [hbm4b:s15+s2], $0x80, v2, vm0, $0xb8;
	[tilespmem:$0x1C080] =	vst v63  }
0x43: {  	s23 =	simm.s32 $0x6880  }
0x44: {  	[tilespmem:s23], [sflag:$0x1] =	stream.indirect_vreg.gather [hbm4b:s16+s2], $0x80, v2, vm0, $0xb8;
	[tilespmem:$0x1C080] =	vst v63  }
0x45: {  	s23 =	simm.s32 $0x7080  }
0x46: {  	[tilespmem:s23], [sflag:$0x1] =	stream.indirect_vreg.gather [hbm4b:s17+s2], $0x80, v2, vm0, $0xb8;
	[tilespmem:$0x1C080] =	vst v63  }
0x47: {  	s23 =	simm.s32 $0x7880  }
0x48: {  	[tilespmem:s23], [sflag:$0x1] =	stream.indirect_vreg.gather [hbm4b:s18+s2], $0x80, v2, vm0, $0xb8;
	[tilespmem:$0x1C080] =	vst v63  }
0x49: {  	v2 =	vld.msk [tilespmem:$0x8], $0xff;
	_ =	sdelay $0x4  }
0x4a: {  	v3 =	vshll.u32 v2, $0x5  }
0x4b: {  	v2 =	vand.u32 $0x7, v2;
	v3 =	vand.u32 $0xFFFFFF00, v3  }
0x4c: {  	v2 =	vor.u32 v2, v3  }
0x4d: {  	v2 =	vperm.xlane v2, v0;
	_ =	sdelay $0x1  }
0x4e: {  	v2 =	vadd.s32 v1, v2;
	_ =	sdelay $0x4  }
0x4f: {  	[tilespmem:s28], [sflag:$0x2] =	stream.indirect_vreg.gather [hbm4b:s3+s2], $0x80, v2, vm0, $0xb8;
	[tilespmem:$0x1C080] =	vst v63  }
0x50: {  	s20 =	simm.s32 $0x8880  }
0x51: {  	[tilespmem:s20], [sflag:$0x2] =	stream.indirect_vreg.gather [hbm4b:s4+s2], $0x80, v2, vm0, $0xb8;
	[tilespmem:$0x1C080] =	vst v63  }
0x52: {  	s20 =	simm.s32 $0x9080  }
0x53: {  	[tilespmem:s20], [sflag:$0x2] =	stream.indirect_vreg.gather [hbm4b:s5+s2], $0x80, v2, vm0, $0xb8;
	[tilespmem:$0x1C080] =	vst v63  }
0x54: {  	s20 =	simm.s32 $0x9880  }
0x55: {  	[tilespmem:s20], [sflag:$0x2] =	stream.indirect_vreg.gather [hbm4b:s6+s2], $0x80, v2, vm0, $0xb8;
	[tilespmem:$0x1C080] =	vst v63  }
0x56: {  	s20 =	simm.s32 $0xA080  }
0x57: {  	[tilespmem:s20], [sflag:$0x2] =	stream.indirect_vreg.gather [hbm4b:s7+s2], $0x80, v2, vm0, $0xb8;
	[tilespmem:$0x1C080] =	vst v63  }
0x58: {  	s20 =	simm.s32 $0xA880  }
0x59: {  	[tilespmem:s20], [sflag:$0x2] =	stream.indirect_vreg.gather [hbm4b:s8+s2], $0x80, v2, vm0, $0xb8;
	[tilespmem:$0x1C080] =	vst v63  }
0x5a: {  	s20 =	simm.s32 $0xB080  }
0x5b: {  	[tilespmem:s20], [sflag:$0x2] =	stream.indirect_vreg.gather [hbm4b:s9+s2], $0x80, v2, vm0, $0xb8;
	[tilespmem:$0x1C080] =	vst v63  }
0x5c: {  	s20 =	simm.s32 $0xB880  }
0x5d: {  	[tilespmem:s20], [sflag:$0x2] =	stream.indirect_vreg.gather [hbm4b:s10+s2], $0x80, v2, vm0, $0xb8;
	[tilespmem:$0x1C080] =	vst v63  }
0x5e: {  	s20 =	simm.s32 $0xC080  }
0x5f: {  	[tilespmem:s20], [sflag:$0x2] =	stream.indirect_vreg.gather [hbm4b:s11+s2], $0x80, v2, vm0, $0xb8;
	[tilespmem:$0x1C080] =	vst v63  }
0x60: {  	s20 =	simm.s32 $0xC880  }
0x61: {  	[tilespmem:s20], [sflag:$0x2] =	stream.indirect_vreg.gather [hbm4b:s12+s2], $0x80, v2, vm0, $0xb8;
	[tilespmem:$0x1C080] =	vst v63  }
0x62: {  	s20 =	simm.s32 $0xD080  }
0x63: {  	[tilespmem:s20], [sflag:$0x2] =	stream.indirect_vreg.gather [hbm4b:s13+s2], $0x80, v2, vm0, $0xb8;
	[tilespmem:$0x1C080] =	vst v63  }
0x64: {  	s20 =	simm.s32 $0xD880  }
0x65: {  	[tilespmem:s20], [sflag:$0x2] =	stream.indirect_vreg.gather [hbm4b:s14+s2], $0x80, v2, vm0, $0xb8;
	[tilespmem:$0x1C080] =	vst v63  }
0x66: {  	s20 =	simm.s32 $0xE080  }
0x67: {  	[tilespmem:s20], [sflag:$0x2] =	stream.indirect_vreg.gather [hbm4b:s15+s2], $0x80, v2, vm0, $0xb8;
	[tilespmem:$0x1C080] =	vst v63  }
0x68: {  	s20 =	simm.s32 $0xE880  }
0x69: {  	[tilespmem:s20], [sflag:$0x2] =	stream.indirect_vreg.gather [hbm4b:s16+s2], $0x80, v2, vm0, $0xb8;
	[tilespmem:$0x1C080] =	vst v63  }
0x6a: {  	s20 =	simm.s32 $0xF080  }
0x6b: {  	[tilespmem:s20], [sflag:$0x2] =	stream.indirect_vreg.gather [hbm4b:s17+s2], $0x80, v2, vm0, $0xb8;
	[tilespmem:$0x1C080] =	vst v63  }
0x6c: {  	s20 =	simm.s32 $0xF880  }
0x6d: {  	[tilespmem:s20], [sflag:$0x2] =	stream.indirect_vreg.gather [hbm4b:s18+s2], $0x80, v2, vm0, $0xb8;
	[tilespmem:$0x1C080] =	vst v63  }
0x6e: {  	v2 =	vld.msk [tilespmem:$0x10], $0xff;
	_ =	sdelay $0x4  }
0x6f: {  	v3 =	vshll.u32 v2, $0x5  }
0x70: {  	v2 =	vand.u32 $0x7, v2;
	v3 =	vand.u32 $0xFFFFFF00, v3  }
0x71: {  	v2 =	vor.u32 v2, v3  }
0x72: {  	v2 =	vperm.xlane v2, v0;
	_ =	sdelay $0x1  }
0x73: {  	v2 =	vadd.s32 v1, v2;
	_ =	sdelay $0x4  }
0x74: {  	[tilespmem:s21], [sflag:$0x3] =	stream.indirect_vreg.gather [hbm4b:s3+s2], $0x80, v2, vm0, $0xb8;
	[tilespmem:$0x1C080] =	vst v63  }
0x75: {  	s20 =	simm.s32 $0x10880  }
0x76: {  	[tilespmem:s20], [sflag:$0x3] =	stream.indirect_vreg.gather [hbm4b:s4+s2], $0x80, v2, vm0, $0xb8;
	[tilespmem:$0x1C080] =	vst v63  }
0x77: {  	s20 =	simm.s32 $0x11080  }
0x78: {  	[tilespmem:s20], [sflag:$0x3] =	stream.indirect_vreg.gather [hbm4b:s5+s2], $0x80, v2, vm0, $0xb8;
	[tilespmem:$0x1C080] =	vst v63  }
0x79: {  	s20 =	simm.s32 $0x11880  }
0x7a: {  	[tilespmem:s20], [sflag:$0x3] =	stream.indirect_vreg.gather [hbm4b:s6+s2], $0x80, v2, vm0, $0xb8;
	[tilespmem:$0x1C080] =	vst v63  }
0x7b: {  	s20 =	simm.s32 $0x12080  }
0x7c: {  	[tilespmem:s20], [sflag:$0x3] =	stream.indirect_vreg.gather [hbm4b:s7+s2], $0x80, v2, vm0, $0xb8;
	[tilespmem:$0x1C080] =	vst v63  }
0x7d: {  	s20 =	simm.s32 $0x12880  }
0x7e: {  	[tilespmem:s20], [sflag:$0x3] =	stream.indirect_vreg.gather [hbm4b:s8+s2], $0x80, v2, vm0, $0xb8;
	[tilespmem:$0x1C080] =	vst v63  }
0x7f: {  	s20 =	simm.s32 $0x13080  }
0x80: {  	[tilespmem:s20], [sflag:$0x3] =	stream.indirect_vreg.gather [hbm4b:s9+s2], $0x80, v2, vm0, $0xb8;
	[tilespmem:$0x1C080] =	vst v63  }
0x81: {  	s20 =	simm.s32 $0x13880  }
0x82: {  	[tilespmem:s20], [sflag:$0x3] =	stream.indirect_vreg.gather [hbm4b:s10+s2], $0x80, v2, vm0, $0xb8;
	[tilespmem:$0x1C080] =	vst v63  }
0x83: {  	s20 =	simm.s32 $0x14080  }
0x84: {  	[tilespmem:s20], [sflag:$0x3] =	stream.indirect_vreg.gather [hbm4b:s11+s2], $0x80, v2, vm0, $0xb8;
	[tilespmem:$0x1C080] =	vst v63  }
0x85: {  	s20 =	simm.s32 $0x14880  }
0x86: {  	[tilespmem:s20], [sflag:$0x3] =	stream.indirect_vreg.gather [hbm4b:s12+s2], $0x80, v2, vm0, $0xb8;
	[tilespmem:$0x1C080] =	vst v63  }
0x87: {  	s20 =	simm.s32 $0x15080  }
0x88: {  	[tilespmem:s20], [sflag:$0x3] =	stream.indirect_vreg.gather [hbm4b:s13+s2], $0x80, v2, vm0, $0xb8;
	[tilespmem:$0x1C080] =	vst v63  }
0x89: {  	s20 =	simm.s32 $0x15880  }
0x8a: {  	[tilespmem:s20], [sflag:$0x3] =	stream.indirect_vreg.gather [hbm4b:s14+s2], $0x80, v2, vm0, $0xb8;
	[tilespmem:$0x1C080] =	vst v63  }
0x8b: {  	s20 =	simm.s32 $0x16080  }
0x8c: {  	[tilespmem:s20], [sflag:$0x3] =	stream.indirect_vreg.gather [hbm4b:s15+s2], $0x80, v2, vm0, $0xb8;
	[tilespmem:$0x1C080] =	vst v63  }
0x8d: {  	s20 =	simm.s32 $0x16880  }
0x8e: {  	[tilespmem:s20], [sflag:$0x3] =	stream.indirect_vreg.gather [hbm4b:s16+s2], $0x80, v2, vm0, $0xb8;
	[tilespmem:$0x1C080] =	vst v63  }
0x8f: {  	s20 =	simm.s32 $0x17080  }
0x90: {  	[tilespmem:s20], [sflag:$0x3] =	stream.indirect_vreg.gather [hbm4b:s17+s2], $0x80, v2, vm0, $0xb8;
	[tilespmem:$0x1C080] =	vst v63  }
0x91: {  	s20 =	simm.s32 $0x17880  }
0x92: {  	[tilespmem:s20], [sflag:$0x3] =	stream.indirect_vreg.gather [hbm4b:s18+s2], $0x80, v2, vm0, $0xb8;
	[tilespmem:$0x1C080] =	vst v63  }
0x93: {  	_ =	swait.ge [sflag:s29], $0x8000  }
0x94: {  	[sflag:s29] =	ssyncset.done $0x0  }
0x95: {  	s20 =	rddreg [dreg:$0x6];
	[sflag:s29] =	ssyncadd.s32 $0xFFFF8000  }
0x96: {  	[hbm4b:s20+s2] =	stream.linear.scatter [tilespmem:s24], [sflag:$0x4], $0x8000, $0x38;
	[tilespmem:$0x1C080] =	vst v63  }
0x97: {  	_ =	swait.ge [sflag:s30], $0x8000  }
0x98: {  	[sflag:s30] =	ssyncset.done $0x0  }
0x99: {  	[sflag:s30] =	ssyncadd.s32 $0xFFFF8000  }
0x9a: {  	v2 =	vld.msk [tilespmem:$0x18], $0xff;
	_ =	sdelay $0x4  }
0x9b: {  	v3 =	vshll.u32 v2, $0x5  }
0x9c: {  	v2 =	vand.u32 $0x7, v2;
	v3 =	vand.u32 $0xFFFFFF00, v3  }
0x9d: {  	v2 =	vor.u32 v2, v3  }
0x9e: {  	v2 =	vperm.xlane v2, v0;
	_ =	sdelay $0x1  }
0x9f: {  	v2 =	vadd.s32 v1, v2;
	_ =	sdelay $0x4  }
0xa0: {  	[tilespmem:s24], [sflag:$0x1] =	stream.indirect_vreg.gather [hbm4b:s3+s2], $0x80, v2, vm0, $0xb8;
	[tilespmem:$0x1C080] =	vst v63  }
0xa1: {  	s20 =	simm.s32 $0x880  }
0xa2: {  	[tilespmem:s20], [sflag:$0x1] =	stream.indirect_vreg.gather [hbm4b:s4+s2], $0x80, v2, vm0, $0xb8;
	[tilespmem:$0x1C080] =	vst v63  }
0xa3: {  	s20 =	simm.s32 $0x1080  }
0xa4: {  	[tilespmem:s20], [sflag:$0x1] =	stream.indirect_vreg.gather [hbm4b:s5+s2], $0x80, v2, vm0, $0xb8;
	[tilespmem:$0x1C080] =	vst v63  }
0xa5: {  	s25 =	simm.s32 $0x1880  }
0xa6: {  	[tilespmem:s25], [sflag:$0x1] =	stream.indirect_vreg.gather [hbm4b:s6+s2], $0x80, v2, vm0, $0xb8;
	[tilespmem:$0x1C080] =	vst v63  }
0xa7: {  	s26 =	simm.s32 $0x2080  }
0xa8: {  	[tilespmem:s26], [sflag:$0x1] =	stream.indirect_vreg.gather [hbm4b:s7+s2], $0x80, v2, vm0, $0xb8;
	[tilespmem:$0x1C080] =	vst v63  }
0xa9: {  	s20 =	simm.s32 $0x2880  }
0xaa: {  	[tilespmem:s20], [sflag:$0x1] =	stream.indirect_vreg.gather [hbm4b:s8+s2], $0x80, v2, vm0, $0xb8;
	[tilespmem:$0x1C080] =	vst v63  }
0xab: {  	s20 =	simm.s32 $0x3080  }
0xac: {  	[tilespmem:s20], [sflag:$0x1] =	stream.indirect_vreg.gather [hbm4b:s9+s2], $0x80, v2, vm0, $0xb8;
	[tilespmem:$0x1C080] =	vst v63  }
0xad: {  	s20 =	simm.s32 $0x3880  }
0xae: {  	[tilespmem:s20], [sflag:$0x1] =	stream.indirect_vreg.gather [hbm4b:s10+s2], $0x80, v2, vm0, $0xb8;
	[tilespmem:$0x1C080] =	vst v63  }
0xaf: {  	s20 =	simm.s32 $0x4080  }
0xb0: {  	[tilespmem:s20], [sflag:$0x1] =	stream.indirect_vreg.gather [hbm4b:s11+s2], $0x80, v2, vm0, $0xb8;
	[tilespmem:$0x1C080] =	vst v63  }
0xb1: {  	s20 =	simm.s32 $0x4880  }
0xb2: {  	[tilespmem:s20], [sflag:$0x1] =	stream.indirect_vreg.gather [hbm4b:s12+s2], $0x80, v2, vm0, $0xb8;
	[tilespmem:$0x1C080] =	vst v63  }
0xb3: {  	s20 =	simm.s32 $0x5080  }
0xb4: {  	[tilespmem:s20], [sflag:$0x1] =	stream.indirect_vreg.gather [hbm4b:s13+s2], $0x80, v2, vm0, $0xb8;
	[tilespmem:$0x1C080] =	vst v63  }
0xb5: {  	s20 =	simm.s32 $0x5880  }
0xb6: {  	[tilespmem:s20], [sflag:$0x1] =	stream.indirect_vreg.gather [hbm4b:s14+s2], $0x80, v2, vm0, $0xb8;
	[tilespmem:$0x1C080] =	vst v63  }
0xb7: {  	s20 =	simm.s32 $0x6080  }
0xb8: {  	[tilespmem:s20], [sflag:$0x1] =	stream.indirect_vreg.gather [hbm4b:s15+s2], $0x80, v2, vm0, $0xb8;
	[tilespmem:$0x1C080] =	vst v63  }
0xb9: {  	s20 =	simm.s32 $0x6880  }
0xba: {  	[tilespmem:s20], [sflag:$0x1] =	stream.indirect_vreg.gather [hbm4b:s16+s2], $0x80, v2, vm0, $0xb8;
	[tilespmem:$0x1C080] =	vst v63  }
0xbb: {  	s20 =	simm.s32 $0x7080  }
0xbc: {  	[tilespmem:s20], [sflag:$0x1] =	stream.indirect_vreg.gather [hbm4b:s17+s2], $0x80, v2, vm0, $0xb8;
	[tilespmem:$0x1C080] =	vst v63  }
0xbd: {  	s23 =	simm.s32 $0x7880  }
0xbe: {  	[tilespmem:s23], [sflag:$0x1] =	stream.indirect_vreg.gather [hbm4b:s18+s2], $0x80, v2, vm0, $0xb8;
	[tilespmem:$0x1C080] =	vst v63  }
0xbf: {  	_ =	swait.ge [sflag:s31], $0x8000  }
0xc0: {  	[sflag:s31] =	ssyncset.done $0x0  }
0xc1: {  	s20 =	rddreg [dreg:$0x7];
	[sflag:s31] =	ssyncadd.s32 $0xFFFF8000  }
0xc2: {  	[hbm4b:s20+s2] =	stream.linear.scatter [tilespmem:s28], [sflag:$0x5], $0x8000, $0x38;
	[tilespmem:$0x1C080] =	vst v63  }
0xc3: {  	_ =	swait.ge [sflag:s0], $0x8000  }
0xc4: {  	[sflag:s0] =	ssyncset.done $0x0  }
0xc5: {  	[sflag:s0] =	ssyncadd.s32 $0xFFFF8000  }
0xc6: {  	v2 =	vld.msk [tilespmem:$0x20], $0xff;
	_ =	sdelay $0x4  }
0xc7: {  	v3 =	vshll.u32 v2, $0x5  }
0xc8: {  	v2 =	vand.u32 $0x7, v2;
	v3 =	vand.u32 $0xFFFFFF00, v3  }
0xc9: {  	v2 =	vor.u32 v2, v3  }
0xca: {  	v2 =	vperm.xlane v2, v0;
	_ =	sdelay $0x1  }
0xcb: {  	v2 =	vadd.s32 v1, v2;
	_ =	sdelay $0x4  }
0xcc: {  	[tilespmem:s28], [sflag:$0x2] =	stream.indirect_vreg.gather [hbm4b:s3+s2], $0x80, v2, vm0, $0xb8;
	[tilespmem:$0x1C080] =	vst v63  }
0xcd: {  	s20 =	simm.s32 $0x8880  }
0xce: {  	[tilespmem:s20], [sflag:$0x2] =	stream.indirect_vreg.gather [hbm4b:s4+s2], $0x80, v2, vm0, $0xb8;
	[tilespmem:$0x1C080] =	vst v63  }
0xcf: {  	s20 =	simm.s32 $0x9080  }
0xd0: {  	[tilespmem:s20], [sflag:$0x2] =	stream.indirect_vreg.gather [hbm4b:s5+s2], $0x80, v2, vm0, $0xb8;
	[tilespmem:$0x1C080] =	vst v63  }
0xd1: {  	s20 =	simm.s32 $0x9880  }
0xd2: {  	[tilespmem:s20], [sflag:$0x2] =	stream.indirect_vreg.gather [hbm4b:s6+s2], $0x80, v2, vm0, $0xb8;
	[tilespmem:$0x1C080] =	vst v63  }
0xd3: {  	s20 =	simm.s32 $0xA080  }
0xd4: {  	[tilespmem:s20], [sflag:$0x2] =	stream.indirect_vreg.gather [hbm4b:s7+s2], $0x80, v2, vm0, $0xb8;
	[tilespmem:$0x1C080] =	vst v63  }
0xd5: {  	s20 =	simm.s32 $0xA880  }
0xd6: {  	[tilespmem:s20], [sflag:$0x2] =	stream.indirect_vreg.gather [hbm4b:s8+s2], $0x80, v2, vm0, $0xb8;
	[tilespmem:$0x1C080] =	vst v63  }
0xd7: {  	s20 =	simm.s32 $0xB080  }
0xd8: {  	[tilespmem:s20], [sflag:$0x2] =	stream.indirect_vreg.gather [hbm4b:s9+s2], $0x80, v2, vm0, $0xb8;
	[tilespmem:$0x1C080] =	vst v63  }
0xd9: {  	s20 =	simm.s32 $0xB880  }
0xda: {  	[tilespmem:s20], [sflag:$0x2] =	stream.indirect_vreg.gather [hbm4b:s10+s2], $0x80, v2, vm0, $0xb8;
	[tilespmem:$0x1C080] =	vst v63  }
0xdb: {  	s20 =	simm.s32 $0xC080  }
0xdc: {  	[tilespmem:s20], [sflag:$0x2] =	stream.indirect_vreg.gather [hbm4b:s11+s2], $0x80, v2, vm0, $0xb8;
	[tilespmem:$0x1C080] =	vst v63  }
0xdd: {  	s20 =	simm.s32 $0xC880  }
0xde: {  	[tilespmem:s20], [sflag:$0x2] =	stream.indirect_vreg.gather [hbm4b:s12+s2], $0x80, v2, vm0, $0xb8;
	[tilespmem:$0x1C080] =	vst v63  }
0xdf: {  	s20 =	simm.s32 $0xD080  }
0xe0: {  	[tilespmem:s20], [sflag:$0x2] =	stream.indirect_vreg.gather [hbm4b:s13+s2], $0x80, v2, vm0, $0xb8;
	[tilespmem:$0x1C080] =	vst v63  }
0xe1: {  	s20 =	simm.s32 $0xD880  }
0xe2: {  	[tilespmem:s20], [sflag:$0x2] =	stream.indirect_vreg.gather [hbm4b:s14+s2], $0x80, v2, vm0, $0xb8;
	[tilespmem:$0x1C080] =	vst v63  }
0xe3: {  	s20 =	simm.s32 $0xE080  }
0xe4: {  	[tilespmem:s20], [sflag:$0x2] =	stream.indirect_vreg.gather [hbm4b:s15+s2], $0x80, v2, vm0, $0xb8;
	[tilespmem:$0x1C080] =	vst v63  }
0xe5: {  	s20 =	simm.s32 $0xE880  }
0xe6: {  	[tilespmem:s20], [sflag:$0x2] =	stream.indirect_vreg.gather [hbm4b:s16+s2], $0x80, v2, vm0, $0xb8;
	[tilespmem:$0x1C080] =	vst v63  }
0xe7: {  	s20 =	simm.s32 $0xF080  }
0xe8: {  	[tilespmem:s20], [sflag:$0x2] =	stream.indirect_vreg.gather [hbm4b:s17+s2], $0x80, v2, vm0, $0xb8;
	[tilespmem:$0x1C080] =	vst v63  }
0xe9: {  	s20 =	simm.s32 $0xF880  }
0xea: {  	[tilespmem:s20], [sflag:$0x2] =	stream.indirect_vreg.gather [hbm4b:s18+s2], $0x80, v2, vm0, $0xb8;
	[tilespmem:$0x1C080] =	vst v63  }
0xeb: {  	_ =	swait.ge [sflag:s1], $0x8000  }
0xec: {  	[sflag:s1] =	ssyncset.done $0x0  }
0xed: {  	s20 =	rddreg [dreg:$0x8];
	[sflag:s1] =	ssyncadd.s32 $0xFFFF8000  }
0xee: {  	[hbm4b:s20+s2] =	stream.linear.scatter [tilespmem:s21], [sflag:$0x6], $0x8000, $0x38;
	[tilespmem:$0x1C080] =	vst v63  }
0xef: {  	_ =	swait.ge [sflag:s22], $0x8000  }
0xf0: {  	[sflag:s22] =	ssyncset.done $0x0  }
0xf1: {  	[sflag:s22] =	ssyncadd.s32 $0xFFFF8000  }
0xf2: {  	v2 =	vld.msk [tilespmem:$0x28], $0xff;
	_ =	sdelay $0x4  }
0xf3: {  	v3 =	vshll.u32 v2, $0x5  }
0xf4: {  	v2 =	vand.u32 $0x7, v2;
	v3 =	vand.u32 $0xFFFFFF00, v3  }
0xf5: {  	v2 =	vor.u32 v2, v3  }
0xf6: {  	v2 =	vperm.xlane v2, v0;
	_ =	sdelay $0x1  }
0xf7: {  	v2 =	vadd.s32 v1, v2;
	_ =	sdelay $0x4  }
0xf8: {  	[tilespmem:s21], [sflag:$0x3] =	stream.indirect_vreg.gather [hbm4b:s3+s2], $0x80, v2, vm0, $0xb8;
	[tilespmem:$0x1C080] =	vst v63  }
0xf9: {  	s20 =	simm.s32 $0x10880  }
0xfa: {  	[tilespmem:s20], [sflag:$0x3] =	stream.indirect_vreg.gather [hbm4b:s4+s2], $0x80, v2, vm0, $0xb8;
	[tilespmem:$0x1C080] =	vst v63  }
0xfb: {  	s20 =	simm.s32 $0x11080  }
0xfc: {  	[tilespmem:s20], [sflag:$0x3] =	stream.indirect_vreg.gather [hbm4b:s5+s2], $0x80, v2, vm0, $0xb8;
	[tilespmem:$0x1C080] =	vst v63  }
0xfd: {  	s20 =	simm.s32 $0x11880  }
0xfe: {  	[tilespmem:s20], [sflag:$0x3] =	stream.indirect_vreg.gather [hbm4b:s6+s2], $0x80, v2, vm0, $0xb8;
	[tilespmem:$0x1C080] =	vst v63  }
0xff: {  	s20 =	simm.s32 $0x12080  }
0x100: {  	[tilespmem:s20], [sflag:$0x3] =	stream.indirect_vreg.gather [hbm4b:s7+s2], $0x80, v2, vm0, $0xb8;
	[tilespmem:$0x1C080] =	vst v63  }
0x101: {  	s20 =	simm.s32 $0x12880  }
0x102: {  	[tilespmem:s20], [sflag:$0x3] =	stream.indirect_vreg.gather [hbm4b:s8+s2], $0x80, v2, vm0, $0xb8;
	[tilespmem:$0x1C080] =	vst v63  }
0x103: {  	s20 =	simm.s32 $0x13080  }
0x104: {  	[tilespmem:s20], [sflag:$0x3] =	stream.indirect_vreg.gather [hbm4b:s9+s2], $0x80, v2, vm0, $0xb8;
	[tilespmem:$0x1C080] =	vst v63  }
0x105: {  	s20 =	simm.s32 $0x13880  }
0x106: {  	[tilespmem:s20], [sflag:$0x3] =	stream.indirect_vreg.gather [hbm4b:s10+s2], $0x80, v2, vm0, $0xb8;
	[tilespmem:$0x1C080] =	vst v63  }
0x107: {  	s20 =	simm.s32 $0x14080  }
0x108: {  	[tilespmem:s20], [sflag:$0x3] =	stream.indirect_vreg.gather [hbm4b:s11+s2], $0x80, v2, vm0, $0xb8;
	[tilespmem:$0x1C080] =	vst v63  }
0x109: {  	s20 =	simm.s32 $0x14880  }
0x10a: {  	[tilespmem:s20], [sflag:$0x3] =	stream.indirect_vreg.gather [hbm4b:s12+s2], $0x80, v2, vm0, $0xb8;
	[tilespmem:$0x1C080] =	vst v63  }
0x10b: {  	s20 =	simm.s32 $0x15080  }
0x10c: {  	[tilespmem:s20], [sflag:$0x3] =	stream.indirect_vreg.gather [hbm4b:s13+s2], $0x80, v2, vm0, $0xb8;
	[tilespmem:$0x1C080] =	vst v63  }
0x10d: {  	s20 =	simm.s32 $0x15880  }
0x10e: {  	[tilespmem:s20], [sflag:$0x3] =	stream.indirect_vreg.gather [hbm4b:s14+s2], $0x80, v2, vm0, $0xb8;
	[tilespmem:$0x1C080] =	vst v63  }
0x10f: {  	s20 =	simm.s32 $0x16080  }
0x110: {  	[tilespmem:s20], [sflag:$0x3] =	stream.indirect_vreg.gather [hbm4b:s15+s2], $0x80, v2, vm0, $0xb8;
	[tilespmem:$0x1C080] =	vst v63  }
0x111: {  	s20 =	simm.s32 $0x16880  }
0x112: {  	[tilespmem:s20], [sflag:$0x3] =	stream.indirect_vreg.gather [hbm4b:s16+s2], $0x80, v2, vm0, $0xb8;
	[tilespmem:$0x1C080] =	vst v63  }
0x113: {  	s20 =	simm.s32 $0x17080  }
0x114: {  	[tilespmem:s20], [sflag:$0x3] =	stream.indirect_vreg.gather [hbm4b:s17+s2], $0x80, v2, vm0, $0xb8;
	[tilespmem:$0x1C080] =	vst v63  }
0x115: {  	s20 =	simm.s32 $0x17880  }
0x116: {  	[tilespmem:s20], [sflag:$0x3] =	stream.indirect_vreg.gather [hbm4b:s18+s2], $0x80, v2, vm0, $0xb8;
	[tilespmem:$0x1C080] =	vst v63  }
0x117: {  	_ =	swait.ge [sflag:s29], $0x8000  }
0x118: {  	[sflag:s29] =	ssyncset.done $0x0  }
0x119: {  	s20 =	rddreg [dreg:$0x9];
	[sflag:s29] =	ssyncadd.s32 $0xFFFF8000  }
0x11a: {  	[hbm4b:s20+s2] =	stream.linear.scatter [tilespmem:s24], [sflag:$0x4], $0x8000, $0x38;
	[tilespmem:$0x1C080] =	vst v63  }
0x11b: {  	_ =	swait.ge [sflag:s30], $0x8000  }
0x11c: {  	[sflag:s30] =	ssyncset.done $0x0  }
0x11d: {  	[sflag:s30] =	ssyncadd.s32 $0xFFFF8000  }
0x11e: {  	v2 =	vld.msk [tilespmem:$0x30], $0xff;
	_ =	sdelay $0x4  }
0x11f: {  	v3 =	vshll.u32 v2, $0x5  }
0x120: {  	v2 =	vand.u32 $0x7, v2;
	v3 =	vand.u32 $0xFFFFFF00, v3  }
0x121: {  	v2 =	vor.u32 v2, v3  }
0x122: {  	v2 =	vperm.xlane v2, v0;
	_ =	sdelay $0x1  }
0x123: {  	v2 =	vadd.s32 v1, v2;
	_ =	sdelay $0x4  }
0x124: {  	[tilespmem:s24], [sflag:$0x1] =	stream.indirect_vreg.gather [hbm4b:s3+s2], $0x80, v2, vm0, $0xb8;
	[tilespmem:$0x1C080] =	vst v63  }
0x125: {  	s20 =	simm.s32 $0x880  }
0x126: {  	[tilespmem:s20], [sflag:$0x1] =	stream.indirect_vreg.gather [hbm4b:s4+s2], $0x80, v2, vm0, $0xb8;
	[tilespmem:$0x1C080] =	vst v63  }
0x127: {  	s20 =	simm.s32 $0x1080  }
0x128: {  	[tilespmem:s20], [sflag:$0x1] =	stream.indirect_vreg.gather [hbm4b:s5+s2], $0x80, v2, vm0, $0xb8;
	[tilespmem:$0x1C080] =	vst v63  }
0x129: {  	s25 =	simm.s32 $0x1880  }
0x12a: {  	[tilespmem:s25], [sflag:$0x1] =	stream.indirect_vreg.gather [hbm4b:s6+s2], $0x80, v2, vm0, $0xb8;
	[tilespmem:$0x1C080] =	vst v63  }
0x12b: {  	s26 =	simm.s32 $0x2080  }
0x12c: {  	[tilespmem:s26], [sflag:$0x1] =	stream.indirect_vreg.gather [hbm4b:s7+s2], $0x80, v2, vm0, $0xb8;
	[tilespmem:$0x1C080] =	vst v63  }
0x12d: {  	s20 =	simm.s32 $0x2880  }
0x12e: {  	[tilespmem:s20], [sflag:$0x1] =	stream.indirect_vreg.gather [hbm4b:s8+s2], $0x80, v2, vm0, $0xb8;
	[tilespmem:$0x1C080] =	vst v63  }
0x12f: {  	s20 =	simm.s32 $0x3080  }
0x130: {  	[tilespmem:s20], [sflag:$0x1] =	stream.indirect_vreg.gather [hbm4b:s9+s2], $0x80, v2, vm0, $0xb8;
	[tilespmem:$0x1C080] =	vst v63  }
0x131: {  	s20 =	simm.s32 $0x3880  }
0x132: {  	[tilespmem:s20], [sflag:$0x1] =	stream.indirect_vreg.gather [hbm4b:s10+s2], $0x80, v2, vm0, $0xb8;
	[tilespmem:$0x1C080] =	vst v63  }
0x133: {  	s20 =	simm.s32 $0x4080  }
0x134: {  	[tilespmem:s20], [sflag:$0x1] =	stream.indirect_vreg.gather [hbm4b:s11+s2], $0x80, v2, vm0, $0xb8;
	[tilespmem:$0x1C080] =	vst v63  }
0x135: {  	s20 =	simm.s32 $0x4880  }
0x136: {  	[tilespmem:s20], [sflag:$0x1] =	stream.indirect_vreg.gather [hbm4b:s12+s2], $0x80, v2, vm0, $0xb8;
	[tilespmem:$0x1C080] =	vst v63  }
0x137: {  	s20 =	simm.s32 $0x5080  }
0x138: {  	[tilespmem:s20], [sflag:$0x1] =	stream.indirect_vreg.gather [hbm4b:s13+s2], $0x80, v2, vm0, $0xb8;
	[tilespmem:$0x1C080] =	vst v63  }
0x139: {  	s20 =	simm.s32 $0x5880  }
0x13a: {  	[tilespmem:s20], [sflag:$0x1] =	stream.indirect_vreg.gather [hbm4b:s14+s2], $0x80, v2, vm0, $0xb8;
	[tilespmem:$0x1C080] =	vst v63  }
0x13b: {  	s20 =	simm.s32 $0x6080  }
0x13c: {  	[tilespmem:s20], [sflag:$0x1] =	stream.indirect_vreg.gather [hbm4b:s15+s2], $0x80, v2, vm0, $0xb8;
	[tilespmem:$0x1C080] =	vst v63  }
0x13d: {  	s20 =	simm.s32 $0x6880  }
0x13e: {  	[tilespmem:s20], [sflag:$0x1] =	stream.indirect_vreg.gather [hbm4b:s16+s2], $0x80, v2, vm0, $0xb8;
	[tilespmem:$0x1C080] =	vst v63  }
0x13f: {  	s20 =	simm.s32 $0x7080  }
0x140: {  	[tilespmem:s20], [sflag:$0x1] =	stream.indirect_vreg.gather [hbm4b:s17+s2], $0x80, v2, vm0, $0xb8;
	[tilespmem:$0x1C080] =	vst v63  }
0x141: {  	s23 =	simm.s32 $0x7880  }
0x142: {  	[tilespmem:s23], [sflag:$0x1] =	stream.indirect_vreg.gather [hbm4b:s18+s2], $0x80, v2, vm0, $0xb8;
	[tilespmem:$0x1C080] =	vst v63  }
0x143: {  	_ =	swait.ge [sflag:s31], $0x8000  }
0x144: {  	[sflag:s31] =	ssyncset.done $0x0  }
0x145: {  	s20 =	rddreg [dreg:$0xa];
	[sflag:s31] =	ssyncadd.s32 $0xFFFF8000  }
0x146: {  	[hbm4b:s20+s2] =	stream.linear.scatter [tilespmem:s28], [sflag:$0x5], $0x8000, $0x38;
	[tilespmem:$0x1C080] =	vst v63  }
0x147: {  	_ =	swait.ge [sflag:s0], $0x8000  }
0x148: {  	[sflag:s0] =	ssyncset.done $0x0  }
0x149: {  	[sflag:s0] =	ssyncadd.s32 $0xFFFF8000  }
0x14a: {  	v2 =	vld.msk [tilespmem:$0x38], $0xff;
	_ =	sdelay $0x4  }
0x14b: {  	v3 =	vshll.u32 v2, $0x5  }
0x14c: {  	v2 =	vand.u32 $0x7, v2;
	v3 =	vand.u32 $0xFFFFFF00, v3  }
0x14d: {  	v2 =	vor.u32 v2, v3  }
0x14e: {  	v2 =	vperm.xlane v2, v0;
	_ =	sdelay $0x1  }
0x14f: {  	v2 =	vadd.s32 v1, v2;
	_ =	sdelay $0x4  }
0x150: {  	[tilespmem:s28], [sflag:$0x2] =	stream.indirect_vreg.gather [hbm4b:s3+s2], $0x80, v2, vm0, $0xb8;
	[tilespmem:$0x1C080] =	vst v63  }
0x151: {  	s20 =	simm.s32 $0x8880  }
0x152: {  	[tilespmem:s20], [sflag:$0x2] =	stream.indirect_vreg.gather [hbm4b:s4+s2], $0x80, v2, vm0, $0xb8;
	[tilespmem:$0x1C080] =	vst v63  }
0x153: {  	s20 =	simm.s32 $0x9080  }
0x154: {  	[tilespmem:s20], [sflag:$0x2] =	stream.indirect_vreg.gather [hbm4b:s5+s2], $0x80, v2, vm0, $0xb8;
	[tilespmem:$0x1C080] =	vst v63  }
0x155: {  	s20 =	simm.s32 $0x9880  }
0x156: {  	[tilespmem:s20], [sflag:$0x2] =	stream.indirect_vreg.gather [hbm4b:s6+s2], $0x80, v2, vm0, $0xb8;
	[tilespmem:$0x1C080] =	vst v63  }
0x157: {  	s20 =	simm.s32 $0xA080  }
0x158: {  	[tilespmem:s20], [sflag:$0x2] =	stream.indirect_vreg.gather [hbm4b:s7+s2], $0x80, v2, vm0, $0xb8;
	[tilespmem:$0x1C080] =	vst v63  }
0x159: {  	s20 =	simm.s32 $0xA880  }
0x15a: {  	[tilespmem:s20], [sflag:$0x2] =	stream.indirect_vreg.gather [hbm4b:s8+s2], $0x80, v2, vm0, $0xb8;
	[tilespmem:$0x1C080] =	vst v63  }
0x15b: {  	s20 =	simm.s32 $0xB080  }
0x15c: {  	[tilespmem:s20], [sflag:$0x2] =	stream.indirect_vreg.gather [hbm4b:s9+s2], $0x80, v2, vm0, $0xb8;
	[tilespmem:$0x1C080] =	vst v63  }
0x15d: {  	s20 =	simm.s32 $0xB880  }
0x15e: {  	[tilespmem:s20], [sflag:$0x2] =	stream.indirect_vreg.gather [hbm4b:s10+s2], $0x80, v2, vm0, $0xb8;
	[tilespmem:$0x1C080] =	vst v63  }
0x15f: {  	s20 =	simm.s32 $0xC080  }
0x160: {  	[tilespmem:s20], [sflag:$0x2] =	stream.indirect_vreg.gather [hbm4b:s11+s2], $0x80, v2, vm0, $0xb8;
	[tilespmem:$0x1C080] =	vst v63  }
0x161: {  	s20 =	simm.s32 $0xC880  }
0x162: {  	[tilespmem:s20], [sflag:$0x2] =	stream.indirect_vreg.gather [hbm4b:s12+s2], $0x80, v2, vm0, $0xb8;
	[tilespmem:$0x1C080] =	vst v63  }
0x163: {  	s20 =	simm.s32 $0xD080  }
0x164: {  	[tilespmem:s20], [sflag:$0x2] =	stream.indirect_vreg.gather [hbm4b:s13+s2], $0x80, v2, vm0, $0xb8;
	[tilespmem:$0x1C080] =	vst v63  }
0x165: {  	s20 =	simm.s32 $0xD880  }
0x166: {  	[tilespmem:s20], [sflag:$0x2] =	stream.indirect_vreg.gather [hbm4b:s14+s2], $0x80, v2, vm0, $0xb8;
	[tilespmem:$0x1C080] =	vst v63  }
0x167: {  	s20 =	simm.s32 $0xE080  }
0x168: {  	[tilespmem:s20], [sflag:$0x2] =	stream.indirect_vreg.gather [hbm4b:s15+s2], $0x80, v2, vm0, $0xb8;
	[tilespmem:$0x1C080] =	vst v63  }
0x169: {  	s20 =	simm.s32 $0xE880  }
0x16a: {  	[tilespmem:s20], [sflag:$0x2] =	stream.indirect_vreg.gather [hbm4b:s16+s2], $0x80, v2, vm0, $0xb8;
	[tilespmem:$0x1C080] =	vst v63  }
0x16b: {  	s20 =	simm.s32 $0xF080  }
0x16c: {  	[tilespmem:s20], [sflag:$0x2] =	stream.indirect_vreg.gather [hbm4b:s17+s2], $0x80, v2, vm0, $0xb8;
	[tilespmem:$0x1C080] =	vst v63  }
0x16d: {  	s20 =	simm.s32 $0xF880  }
0x16e: {  	[tilespmem:s20], [sflag:$0x2] =	stream.indirect_vreg.gather [hbm4b:s18+s2], $0x80, v2, vm0, $0xb8;
	[tilespmem:$0x1C080] =	vst v63  }
0x16f: {  	_ =	swait.ge [sflag:s1], $0x8000  }
0x170: {  	[sflag:s1] =	ssyncset.done $0x0  }
0x171: {  	s20 =	rddreg [dreg:$0xb];
	[sflag:s1] =	ssyncadd.s32 $0xFFFF8000  }
0x172: {  	[hbm4b:s20+s2] =	stream.linear.scatter [tilespmem:s21], [sflag:$0x6], $0x8000, $0x38;
	[tilespmem:$0x1C080] =	vst v63  }
0x173: {  	_ =	swait.ge [sflag:s22], $0x8000  }
0x174: {  	[sflag:s22] =	ssyncset.done $0x0  }
0x175: {  	[sflag:s22] =	ssyncadd.s32 $0xFFFF8000  }
0x176: {  	v2 =	vld.msk [tilespmem:$0x40], $0xff;
	_ =	sdelay $0x4  }
0x177: {  	v3 =	vshll.u32 v2, $0x5  }
0x178: {  	v2 =	vand.u32 $0x7, v2;
	v3 =	vand.u32 $0xFFFFFF00, v3  }
0x179: {  	v2 =	vor.u32 v2, v3  }
0x17a: {  	v2 =	vperm.xlane v2, v0;
	_ =	sdelay $0x1  }
0x17b: {  	v2 =	vadd.s32 v1, v2;
	_ =	sdelay $0x4  }
0x17c: {  	[tilespmem:s21], [sflag:$0x3] =	stream.indirect_vreg.gather [hbm4b:s3+s2], $0x80, v2, vm0, $0xb8;
	[tilespmem:$0x1C080] =	vst v63  }
0x17d: {  	s20 =	simm.s32 $0x10880  }
0x17e: {  	[tilespmem:s20], [sflag:$0x3] =	stream.indirect_vreg.gather [hbm4b:s4+s2], $0x80, v2, vm0, $0xb8;
	[tilespmem:$0x1C080] =	vst v63  }
0x17f: {  	s20 =	simm.s32 $0x11080  }
0x180: {  	[tilespmem:s20], [sflag:$0x3] =	stream.indirect_vreg.gather [hbm4b:s5+s2], $0x80, v2, vm0, $0xb8;
	[tilespmem:$0x1C080] =	vst v63  }
0x181: {  	s20 =	simm.s32 $0x11880  }
0x182: {  	[tilespmem:s20], [sflag:$0x3] =	stream.indirect_vreg.gather [hbm4b:s6+s2], $0x80, v2, vm0, $0xb8;
	[tilespmem:$0x1C080] =	vst v63  }
0x183: {  	s20 =	simm.s32 $0x12080  }
0x184: {  	[tilespmem:s20], [sflag:$0x3] =	stream.indirect_vreg.gather [hbm4b:s7+s2], $0x80, v2, vm0, $0xb8;
	[tilespmem:$0x1C080] =	vst v63  }
0x185: {  	s20 =	simm.s32 $0x12880  }
0x186: {  	[tilespmem:s20], [sflag:$0x3] =	stream.indirect_vreg.gather [hbm4b:s8+s2], $0x80, v2, vm0, $0xb8;
	[tilespmem:$0x1C080] =	vst v63  }
0x187: {  	s20 =	simm.s32 $0x13080  }
0x188: {  	[tilespmem:s20], [sflag:$0x3] =	stream.indirect_vreg.gather [hbm4b:s9+s2], $0x80, v2, vm0, $0xb8;
	[tilespmem:$0x1C080] =	vst v63  }
0x189: {  	s20 =	simm.s32 $0x13880  }
0x18a: {  	[tilespmem:s20], [sflag:$0x3] =	stream.indirect_vreg.gather [hbm4b:s10+s2], $0x80, v2, vm0, $0xb8;
	[tilespmem:$0x1C080] =	vst v63  }
0x18b: {  	s20 =	simm.s32 $0x14080  }
0x18c: {  	[tilespmem:s20], [sflag:$0x3] =	stream.indirect_vreg.gather [hbm4b:s11+s2], $0x80, v2, vm0, $0xb8;
	[tilespmem:$0x1C080] =	vst v63  }
0x18d: {  	s20 =	simm.s32 $0x14880  }
0x18e: {  	[tilespmem:s20], [sflag:$0x3] =	stream.indirect_vreg.gather [hbm4b:s12+s2], $0x80, v2, vm0, $0xb8;
	[tilespmem:$0x1C080] =	vst v63  }
0x18f: {  	s20 =	simm.s32 $0x15080  }
0x190: {  	[tilespmem:s20], [sflag:$0x3] =	stream.indirect_vreg.gather [hbm4b:s13+s2], $0x80, v2, vm0, $0xb8;
	[tilespmem:$0x1C080] =	vst v63  }
0x191: {  	s20 =	simm.s32 $0x15880  }
0x192: {  	[tilespmem:s20], [sflag:$0x3] =	stream.indirect_vreg.gather [hbm4b:s14+s2], $0x80, v2, vm0, $0xb8;
	[tilespmem:$0x1C080] =	vst v63  }
0x193: {  	s20 =	simm.s32 $0x16080  }
0x194: {  	[tilespmem:s20], [sflag:$0x3] =	stream.indirect_vreg.gather [hbm4b:s15+s2], $0x80, v2, vm0, $0xb8;
	[tilespmem:$0x1C080] =	vst v63  }
0x195: {  	s20 =	simm.s32 $0x16880  }
0x196: {  	[tilespmem:s20], [sflag:$0x3] =	stream.indirect_vreg.gather [hbm4b:s16+s2], $0x80, v2, vm0, $0xb8;
	[tilespmem:$0x1C080] =	vst v63  }
0x197: {  	s20 =	simm.s32 $0x17080  }
0x198: {  	[tilespmem:s20], [sflag:$0x3] =	stream.indirect_vreg.gather [hbm4b:s17+s2], $0x80, v2, vm0, $0xb8;
	[tilespmem:$0x1C080] =	vst v63  }
0x199: {  	s20 =	simm.s32 $0x17880  }
0x19a: {  	[tilespmem:s20], [sflag:$0x3] =	stream.indirect_vreg.gather [hbm4b:s18+s2], $0x80, v2, vm0, $0xb8;
	[tilespmem:$0x1C080] =	vst v63  }
0x19b: {  	_ =	swait.ge [sflag:s29], $0x8000  }
0x19c: {  	[sflag:s29] =	ssyncset.done $0x0  }
0x19d: {  	s20 =	rddreg [dreg:$0xc];
	[sflag:s29] =	ssyncadd.s32 $0xFFFF8000  }
0x19e: {  	[hbm4b:s20+s2] =	stream.linear.scatter [tilespmem:s24], [sflag:$0x4], $0x8000, $0x38;
	[tilespmem:$0x1C080] =	vst v63  }
0x19f: {  	_ =	swait.ge [sflag:s30], $0x8000  }
0x1a0: {  	[sflag:s30] =	ssyncset.done $0x0  }
0x1a1: {  	[sflag:s30] =	ssyncadd.s32 $0xFFFF8000  }
0x1a2: {  	v2 =	vld.msk [tilespmem:$0x48], $0xff;
	_ =	sdelay $0x4  }
0x1a3: {  	v3 =	vshll.u32 v2, $0x5  }
0x1a4: {  	v2 =	vand.u32 $0x7, v2;
	v3 =	vand.u32 $0xFFFFFF00, v3  }
0x1a5: {  	v2 =	vor.u32 v2, v3  }
0x1a6: {  	v2 =	vperm.xlane v2, v0;
	_ =	sdelay $0x1  }
0x1a7: {  	v2 =	vadd.s32 v1, v2;
	_ =	sdelay $0x4  }
0x1a8: {  	[tilespmem:s24], [sflag:$0x1] =	stream.indirect_vreg.gather [hbm4b:s3+s2], $0x80, v2, vm0, $0xb8;
	[tilespmem:$0x1C080] =	vst v63  }
0x1a9: {  	s20 =	simm.s32 $0x880  }
0x1aa: {  	[tilespmem:s20], [sflag:$0x1] =	stream.indirect_vreg.gather [hbm4b:s4+s2], $0x80, v2, vm0, $0xb8;
	[tilespmem:$0x1C080] =	vst v63  }
0x1ab: {  	s20 =	simm.s32 $0x1080  }
0x1ac: {  	[tilespmem:s20], [sflag:$0x1] =	stream.indirect_vreg.gather [hbm4b:s5+s2], $0x80, v2, vm0, $0xb8;
	[tilespmem:$0x1C080] =	vst v63  }
0x1ad: {  	s25 =	simm.s32 $0x1880  }
0x1ae: {  	[tilespmem:s25], [sflag:$0x1] =	stream.indirect_vreg.gather [hbm4b:s6+s2], $0x80, v2, vm0, $0xb8;
	[tilespmem:$0x1C080] =	vst v63  }
0x1af: {  	s26 =	simm.s32 $0x2080  }
0x1b0: {  	[tilespmem:s26], [sflag:$0x1] =	stream.indirect_vreg.gather [hbm4b:s7+s2], $0x80, v2, vm0, $0xb8;
	[tilespmem:$0x1C080] =	vst v63  }
0x1b1: {  	s25 =	simm.s32 $0x2880  }
0x1b2: {  	[tilespmem:s25], [sflag:$0x1] =	stream.indirect_vreg.gather [hbm4b:s8+s2], $0x80, v2, vm0, $0xb8;
	[tilespmem:$0x1C080] =	vst v63  }
0x1b3: {  	s26 =	simm.s32 $0x3080  }
0x1b4: {  	[tilespmem:s26], [sflag:$0x1] =	stream.indirect_vreg.gather [hbm4b:s9+s2], $0x80, v2, vm0, $0xb8;
	[tilespmem:$0x1C080] =	vst v63  }
0x1b5: {  	s25 =	simm.s32 $0x3880  }
0x1b6: {  	[tilespmem:s25], [sflag:$0x1] =	stream.indirect_vreg.gather [hbm4b:s10+s2], $0x80, v2, vm0, $0xb8;
	[tilespmem:$0x1C080] =	vst v63  }
0x1b7: {  	s26 =	simm.s32 $0x4080  }
0x1b8: {  	[tilespmem:s26], [sflag:$0x1] =	stream.indirect_vreg.gather [hbm4b:s11+s2], $0x80, v2, vm0, $0xb8;
	[tilespmem:$0x1C080] =	vst v63  }
0x1b9: {  	s25 =	simm.s32 $0x4880  }
0x1ba: {  	[tilespmem:s25], [sflag:$0x1] =	stream.indirect_vreg.gather [hbm4b:s12+s2], $0x80, v2, vm0, $0xb8;
	[tilespmem:$0x1C080] =	vst v63  }
0x1bb: {  	s26 =	simm.s32 $0x5080  }
0x1bc: {  	[tilespmem:s26], [sflag:$0x1] =	stream.indirect_vreg.gather [hbm4b:s13+s2], $0x80, v2, vm0, $0xb8;
	[tilespmem:$0x1C080] =	vst v63  }
0x1bd: {  	s25 =	simm.s32 $0x5880  }
0x1be: {  	[tilespmem:s25], [sflag:$0x1] =	stream.indirect_vreg.gather [hbm4b:s14+s2], $0x80, v2, vm0, $0xb8;
	[tilespmem:$0x1C080] =	vst v63  }
0x1bf: {  	s26 =	simm.s32 $0x6080  }
0x1c0: {  	[tilespmem:s26], [sflag:$0x1] =	stream.indirect_vreg.gather [hbm4b:s15+s2], $0x80, v2, vm0, $0xb8;
	[tilespmem:$0x1C080] =	vst v63  }
0x1c1: {  	s25 =	simm.s32 $0x6880  }
0x1c2: {  	[tilespmem:s25], [sflag:$0x1] =	stream.indirect_vreg.gather [hbm4b:s16+s2], $0x80, v2, vm0, $0xb8;
	[tilespmem:$0x1C080] =	vst v63  }
0x1c3: {  	s26 =	simm.s32 $0x7080  }
0x1c4: {  	[tilespmem:s26], [sflag:$0x1] =	stream.indirect_vreg.gather [hbm4b:s17+s2], $0x80, v2, vm0, $0xb8;
	[tilespmem:$0x1C080] =	vst v63  }
0x1c5: {  	s23 =	simm.s32 $0x7880  }
0x1c6: {  	[tilespmem:s23], [sflag:$0x1] =	stream.indirect_vreg.gather [hbm4b:s18+s2], $0x80, v2, vm0, $0xb8;
	[tilespmem:$0x1C080] =	vst v63  }
0x1c7: {  	_ =	swait.ge [sflag:s31], $0x8000  }
0x1c8: {  	[sflag:s31] =	ssyncset.done $0x0  }
0x1c9: {  	s25 =	rddreg [dreg:$0xd];
	[sflag:s31] =	ssyncadd.s32 $0xFFFF8000  }
0x1ca: {  	[hbm4b:s25+s2] =	stream.linear.scatter [tilespmem:s28], [sflag:$0x5], $0x8000, $0x38;
	[tilespmem:$0x1C080] =	vst v63  }
0x1cb: {  	_ =	swait.ge [sflag:s0], $0x8000  }
0x1cc: {  	[sflag:s0] =	ssyncset.done $0x0  }
0x1cd: {  	[sflag:s0] =	ssyncadd.s32 $0xFFFF8000  }
0x1ce: {  	v2 =	vld.msk [tilespmem:$0x50], $0xff;
	_ =	sdelay $0x4  }
0x1cf: {  	v3 =	vshll.u32 v2, $0x5  }
0x1d0: {  	v2 =	vand.u32 $0x7, v2;
	v3 =	vand.u32 $0xFFFFFF00, v3  }
0x1d1: {  	v2 =	vor.u32 v2, v3  }
0x1d2: {  	v2 =	vperm.xlane v2, v0;
	_ =	sdelay $0x1  }
0x1d3: {  	v2 =	vadd.s32 v1, v2;
	_ =	sdelay $0x4  }
0x1d4: {  	[tilespmem:s28], [sflag:$0x2] =	stream.indirect_vreg.gather [hbm4b:s3+s2], $0x80, v2, vm0, $0xb8;
	[tilespmem:$0x1C080] =	vst v63  }
0x1d5: {  	s26 =	simm.s32 $0x8880  }
0x1d6: {  	[tilespmem:s26], [sflag:$0x2] =	stream.indirect_vreg.gather [hbm4b:s4+s2], $0x80, v2, vm0, $0xb8;
	[tilespmem:$0x1C080] =	vst v63  }
0x1d7: {  	s23 =	simm.s32 $0x9080  }
0x1d8: {  	[tilespmem:s23], [sflag:$0x2] =	stream.indirect_vreg.gather [hbm4b:s5+s2], $0x80, v2, vm0, $0xb8;
	[tilespmem:$0x1C080] =	vst v63  }
0x1d9: {  	s25 =	simm.s32 $0x9880  }
0x1da: {  	[tilespmem:s25], [sflag:$0x2] =	stream.indirect_vreg.gather [hbm4b:s6+s2], $0x80, v2, vm0, $0xb8;
	[tilespmem:$0x1C080] =	vst v63  }
0x1db: {  	s26 =	simm.s32 $0xA080  }
0x1dc: {  	[tilespmem:s26], [sflag:$0x2] =	stream.indirect_vreg.gather [hbm4b:s7+s2], $0x80, v2, vm0, $0xb8;
	[tilespmem:$0x1C080] =	vst v63  }
0x1dd: {  	s23 =	simm.s32 $0xA880  }
0x1de: {  	[tilespmem:s23], [sflag:$0x2] =	stream.indirect_vreg.gather [hbm4b:s8+s2], $0x80, v2, vm0, $0xb8;
	[tilespmem:$0x1C080] =	vst v63  }
0x1df: {  	s25 =	simm.s32 $0xB080  }
0x1e0: {  	[tilespmem:s25], [sflag:$0x2] =	stream.indirect_vreg.gather [hbm4b:s9+s2], $0x80, v2, vm0, $0xb8;
	[tilespmem:$0x1C080] =	vst v63  }
0x1e1: {  	s26 =	simm.s32 $0xB880  }
0x1e2: {  	[tilespmem:s26], [sflag:$0x2] =	stream.indirect_vreg.gather [hbm4b:s10+s2], $0x80, v2, vm0, $0xb8;
	[tilespmem:$0x1C080] =	vst v63  }
0x1e3: {  	s23 =	simm.s32 $0xC080  }
0x1e4: {  	[tilespmem:s23], [sflag:$0x2] =	stream.indirect_vreg.gather [hbm4b:s11+s2], $0x80, v2, vm0, $0xb8;
	[tilespmem:$0x1C080] =	vst v63  }
0x1e5: {  	s25 =	simm.s32 $0xC880  }
0x1e6: {  	[tilespmem:s25], [sflag:$0x2] =	stream.indirect_vreg.gather [hbm4b:s12+s2], $0x80, v2, vm0, $0xb8;
	[tilespmem:$0x1C080] =	vst v63  }
0x1e7: {  	s26 =	simm.s32 $0xD080  }
0x1e8: {  	[tilespmem:s26], [sflag:$0x2] =	stream.indirect_vreg.gather [hbm4b:s13+s2], $0x80, v2, vm0, $0xb8;
	[tilespmem:$0x1C080] =	vst v63  }
0x1e9: {  	s23 =	simm.s32 $0xD880  }
0x1ea: {  	[tilespmem:s23], [sflag:$0x2] =	stream.indirect_vreg.gather [hbm4b:s14+s2], $0x80, v2, vm0, $0xb8;
	[tilespmem:$0x1C080] =	vst v63  }
0x1eb: {  	s25 =	simm.s32 $0xE080  }
0x1ec: {  	[tilespmem:s25], [sflag:$0x2] =	stream.indirect_vreg.gather [hbm4b:s15+s2], $0x80, v2, vm0, $0xb8;
	[tilespmem:$0x1C080] =	vst v63  }
0x1ed: {  	s26 =	simm.s32 $0xE880  }
0x1ee: {  	[tilespmem:s26], [sflag:$0x2] =	stream.indirect_vreg.gather [hbm4b:s16+s2], $0x80, v2, vm0, $0xb8;
	[tilespmem:$0x1C080] =	vst v63  }
0x1ef: {  	s23 =	simm.s32 $0xF080  }
0x1f0: {  	[tilespmem:s23], [sflag:$0x2] =	stream.indirect_vreg.gather [hbm4b:s17+s2], $0x80, v2, vm0, $0xb8;
	[tilespmem:$0x1C080] =	vst v63  }
0x1f1: {  	s25 =	simm.s32 $0xF880  }
0x1f2: {  	[tilespmem:s25], [sflag:$0x2] =	stream.indirect_vreg.gather [hbm4b:s18+s2], $0x80, v2, vm0, $0xb8;
	[tilespmem:$0x1C080] =	vst v63  }
0x1f3: {  	_ =	swait.ge [sflag:s1], $0x8000  }
0x1f4: {  	[sflag:s1] =	ssyncset.done $0x0  }
0x1f5: {  	s26 =	rddreg [dreg:$0xe];
	[sflag:s1] =	ssyncadd.s32 $0xFFFF8000  }
0x1f6: {  	[hbm4b:s26+s2] =	stream.linear.scatter [tilespmem:s21], [sflag:$0x6], $0x8000, $0x38;
	[tilespmem:$0x1C080] =	vst v63  }
0x1f7: {  	_ =	swait.ge [sflag:s22], $0x8000  }
0x1f8: {  	[sflag:s22] =	ssyncset.done $0x0  }
0x1f9: {  	[sflag:s22] =	ssyncadd.s32 $0xFFFF8000  }
0x1fa: {  	v2 =	vld.msk [tilespmem:$0x58], $0xff;
	_ =	sdelay $0x4  }
0x1fb: {  	v3 =	vshll.u32 v2, $0x5  }
0x1fc: {  	v2 =	vand.u32 $0x7, v2;
	v3 =	vand.u32 $0xFFFFFF00, v3  }
0x1fd: {  	v2 =	vor.u32 v2, v3  }
0x1fe: {  	v2 =	vperm.xlane v2, v0;
	_ =	sdelay $0x1  }
0x1ff: {  	v2 =	vadd.s32 v1, v2;
	_ =	sdelay $0x4  }
0x200: {  	[tilespmem:s21], [sflag:$0x3] =	stream.indirect_vreg.gather [hbm4b:s3+s2], $0x80, v2, vm0, $0xb8;
	[tilespmem:$0x1C080] =	vst v63  }
0x201: {  	s23 =	simm.s32 $0x10880  }
0x202: {  	[tilespmem:s23], [sflag:$0x3] =	stream.indirect_vreg.gather [hbm4b:s4+s2], $0x80, v2, vm0, $0xb8;
	[tilespmem:$0x1C080] =	vst v63  }
0x203: {  	s25 =	simm.s32 $0x11080  }
0x204: {  	[tilespmem:s25], [sflag:$0x3] =	stream.indirect_vreg.gather [hbm4b:s5+s2], $0x80, v2, vm0, $0xb8;
	[tilespmem:$0x1C080] =	vst v63  }
0x205: {  	s26 =	simm.s32 $0x11880  }
0x206: {  	[tilespmem:s26], [sflag:$0x3] =	stream.indirect_vreg.gather [hbm4b:s6+s2], $0x80, v2, vm0, $0xb8;
	[tilespmem:$0x1C080] =	vst v63  }
0x207: {  	s20 =	simm.s32 $0x12080  }
0x208: {  	[tilespmem:s20], [sflag:$0x3] =	stream.indirect_vreg.gather [hbm4b:s7+s2], $0x80, v2, vm0, $0xb8;
	[tilespmem:$0x1C080] =	vst v63  }
0x209: {  	s20 =	simm.s32 $0x12880  }
0x20a: {  	[tilespmem:s20], [sflag:$0x3] =	stream.indirect_vreg.gather [hbm4b:s8+s2], $0x80, v2, vm0, $0xb8;
	[tilespmem:$0x1C080] =	vst v63  }
0x20b: {  	s20 =	simm.s32 $0x13080  }
0x20c: {  	[tilespmem:s20], [sflag:$0x3] =	stream.indirect_vreg.gather [hbm4b:s9+s2], $0x80, v2, vm0, $0xb8;
	[tilespmem:$0x1C080] =	vst v63  }
0x20d: {  	s20 =	simm.s32 $0x13880  }
0x20e: {  	[tilespmem:s20], [sflag:$0x3] =	stream.indirect_vreg.gather [hbm4b:s10+s2], $0x80, v2, vm0, $0xb8;
	[tilespmem:$0x1C080] =	vst v63  }
0x20f: {  	s20 =	simm.s32 $0x14080  }
0x210: {  	[tilespmem:s20], [sflag:$0x3] =	stream.indirect_vreg.gather [hbm4b:s11+s2], $0x80, v2, vm0, $0xb8;
	[tilespmem:$0x1C080] =	vst v63  }
0x211: {  	s20 =	simm.s32 $0x14880  }
0x212: {  	[tilespmem:s20], [sflag:$0x3] =	stream.indirect_vreg.gather [hbm4b:s12+s2], $0x80, v2, vm0, $0xb8;
	[tilespmem:$0x1C080] =	vst v63  }
0x213: {  	s20 =	simm.s32 $0x15080  }
0x214: {  	[tilespmem:s20], [sflag:$0x3] =	stream.indirect_vreg.gather [hbm4b:s13+s2], $0x80, v2, vm0, $0xb8;
	[tilespmem:$0x1C080] =	vst v63  }
0x215: {  	s20 =	simm.s32 $0x15880  }
0x216: {  	[tilespmem:s20], [sflag:$0x3] =	stream.indirect_vreg.gather [hbm4b:s14+s2], $0x80, v2, vm0, $0xb8;
	[tilespmem:$0x1C080] =	vst v63  }
0x217: {  	s20 =	simm.s32 $0x16080  }
0x218: {  	[tilespmem:s20], [sflag:$0x3] =	stream.indirect_vreg.gather [hbm4b:s15+s2], $0x80, v2, vm0, $0xb8;
	[tilespmem:$0x1C080] =	vst v63  }
0x219: {  	s20 =	simm.s32 $0x16880  }
0x21a: {  	[tilespmem:s20], [sflag:$0x3] =	stream.indirect_vreg.gather [hbm4b:s16+s2], $0x80, v2, vm0, $0xb8;
	[tilespmem:$0x1C080] =	vst v63  }
0x21b: {  	s20 =	simm.s32 $0x17080  }
0x21c: {  	[tilespmem:s20], [sflag:$0x3] =	stream.indirect_vreg.gather [hbm4b:s17+s2], $0x80, v2, vm0, $0xb8;
	[tilespmem:$0x1C080] =	vst v63  }
0x21d: {  	s20 =	simm.s32 $0x17880  }
0x21e: {  	[tilespmem:s20], [sflag:$0x3] =	stream.indirect_vreg.gather [hbm4b:s18+s2], $0x80, v2, vm0, $0xb8;
	[tilespmem:$0x1C080] =	vst v63  }
0x21f: {  	_ =	swait.ge [sflag:s29], $0x8000  }
0x220: {  	[sflag:s29] =	ssyncset.done $0x0  }
0x221: {  	s20 =	rddreg [dreg:$0xf];
	[sflag:s29] =	ssyncadd.s32 $0xFFFF8000  }
0x222: {  	[hbm4b:s20+s2] =	stream.linear.scatter [tilespmem:s24], [sflag:$0x4], $0x8000, $0x38;
	[tilespmem:$0x1C080] =	vst v63  }
0x223: {  	_ =	swait.ge [sflag:s30], $0x8000  }
0x224: {  	[sflag:s30] =	ssyncset.done $0x0  }
0x225: {  	[sflag:s30] =	ssyncadd.s32 $0xFFFF8000  }
0x226: {  	v2 =	vld.msk [tilespmem:$0x60], $0xff;
	_ =	sdelay $0x4  }
0x227: {  	v3 =	vshll.u32 v2, $0x5  }
0x228: {  	v2 =	vand.u32 $0x7, v2;
	v3 =	vand.u32 $0xFFFFFF00, v3  }
0x229: {  	v2 =	vor.u32 v2, v3  }
0x22a: {  	v2 =	vperm.xlane v2, v0;
	_ =	sdelay $0x1  }
0x22b: {  	v2 =	vadd.s32 v1, v2;
	_ =	sdelay $0x4  }
0x22c: {  	[tilespmem:s24], [sflag:$0x1] =	stream.indirect_vreg.gather [hbm4b:s3+s2], $0x80, v2, vm0, $0xb8;
	[tilespmem:$0x1C080] =	vst v63  }
0x22d: {  	s20 =	simm.s32 $0x880  }
0x22e: {  	[tilespmem:s20], [sflag:$0x1] =	stream.indirect_vreg.gather [hbm4b:s4+s2], $0x80, v2, vm0, $0xb8;
	[tilespmem:$0x1C080] =	vst v63  }
0x22f: {  	s20 =	simm.s32 $0x1080  }
0x230: {  	[tilespmem:s20], [sflag:$0x1] =	stream.indirect_vreg.gather [hbm4b:s5+s2], $0x80, v2, vm0, $0xb8;
	[tilespmem:$0x1C080] =	vst v63  }
0x231: {  	s20 =	simm.s32 $0x1880  }
0x232: {  	[tilespmem:s20], [sflag:$0x1] =	stream.indirect_vreg.gather [hbm4b:s6+s2], $0x80, v2, vm0, $0xb8;
	[tilespmem:$0x1C080] =	vst v63  }
0x233: {  	s20 =	simm.s32 $0x2080  }
0x234: {  	[tilespmem:s20], [sflag:$0x1] =	stream.indirect_vreg.gather [hbm4b:s7+s2], $0x80, v2, vm0, $0xb8;
	[tilespmem:$0x1C080] =	vst v63  }
0x235: {  	s20 =	simm.s32 $0x2880  }
0x236: {  	[tilespmem:s20], [sflag:$0x1] =	stream.indirect_vreg.gather [hbm4b:s8+s2], $0x80, v2, vm0, $0xb8;
	[tilespmem:$0x1C080] =	vst v63  }
0x237: {  	s20 =	simm.s32 $0x3080  }
0x238: {  	[tilespmem:s20], [sflag:$0x1] =	stream.indirect_vreg.gather [hbm4b:s9+s2], $0x80, v2, vm0, $0xb8;
	[tilespmem:$0x1C080] =	vst v63  }
0x239: {  	s20 =	simm.s32 $0x3880  }
0x23a: {  	[tilespmem:s20], [sflag:$0x1] =	stream.indirect_vreg.gather [hbm4b:s10+s2], $0x80, v2, vm0, $0xb8;
	[tilespmem:$0x1C080] =	vst v63  }
0x23b: {  	s20 =	simm.s32 $0x4080  }
0x23c: {  	[tilespmem:s20], [sflag:$0x1] =	stream.indirect_vreg.gather [hbm4b:s11+s2], $0x80, v2, vm0, $0xb8;
	[tilespmem:$0x1C080] =	vst v63  }
0x23d: {  	s20 =	simm.s32 $0x4880  }
0x23e: {  	[tilespmem:s20], [sflag:$0x1] =	stream.indirect_vreg.gather [hbm4b:s12+s2], $0x80, v2, vm0, $0xb8;
	[tilespmem:$0x1C080] =	vst v63  }
0x23f: {  	s20 =	simm.s32 $0x5080  }
0x240: {  	[tilespmem:s20], [sflag:$0x1] =	stream.indirect_vreg.gather [hbm4b:s13+s2], $0x80, v2, vm0, $0xb8;
	[tilespmem:$0x1C080] =	vst v63  }
0x241: {  	s20 =	simm.s32 $0x5880  }
0x242: {  	[tilespmem:s20], [sflag:$0x1] =	stream.indirect_vreg.gather [hbm4b:s14+s2], $0x80, v2, vm0, $0xb8;
	[tilespmem:$0x1C080] =	vst v63  }
0x243: {  	s20 =	simm.s32 $0x6080  }
0x244: {  	[tilespmem:s20], [sflag:$0x1] =	stream.indirect_vreg.gather [hbm4b:s15+s2], $0x80, v2, vm0, $0xb8;
	[tilespmem:$0x1C080] =	vst v63  }
0x245: {  	s20 =	simm.s32 $0x6880  }
0x246: {  	[tilespmem:s20], [sflag:$0x1] =	stream.indirect_vreg.gather [hbm4b:s16+s2], $0x80, v2, vm0, $0xb8;
	[tilespmem:$0x1C080] =	vst v63  }
0x247: {  	s20 =	simm.s32 $0x7080  }
0x248: {  	[tilespmem:s20], [sflag:$0x1] =	stream.indirect_vreg.gather [hbm4b:s17+s2], $0x80, v2, vm0, $0xb8;
	[tilespmem:$0x1C080] =	vst v63  }
0x249: {  	s20 =	simm.s32 $0x7880  }
0x24a: {  	[tilespmem:s20], [sflag:$0x1] =	stream.indirect_vreg.gather [hbm4b:s18+s2], $0x80, v2, vm0, $0xb8;
	[tilespmem:$0x1C080] =	vst v63  }
0x24b: {  	_ =	swait.ge [sflag:s31], $0x8000  }
0x24c: {  	[sflag:s31] =	ssyncset.done $0x0  }
0x24d: {  	s20 =	rddreg [dreg:$0x10];
	[sflag:s31] =	ssyncadd.s32 $0xFFFF8000  }
0x24e: {  	[hbm4b:s20+s2] =	stream.linear.scatter [tilespmem:s28], [sflag:$0x5], $0x8000, $0x38;
	[tilespmem:$0x1C080] =	vst v63  }
0x24f: {  	_ =	swait.ge [sflag:s0], $0x8000  }
0x250: {  	[sflag:s0] =	ssyncset.done $0x0  }
0x251: {  	[sflag:s0] =	ssyncadd.s32 $0xFFFF8000  }
0x252: {  	v2 =	vld.msk [tilespmem:$0x68], $0xff;
	_ =	sdelay $0x4  }
0x253: {  	v3 =	vshll.u32 v2, $0x5  }
0x254: {  	v2 =	vand.u32 $0x7, v2;
	v3 =	vand.u32 $0xFFFFFF00, v3  }
0x255: {  	v2 =	vor.u32 v2, v3  }
0x256: {  	v2 =	vperm.xlane v2, v0;
	_ =	sdelay $0x1  }
0x257: {  	v2 =	vadd.s32 v1, v2;
	_ =	sdelay $0x4  }
0x258: {  	[tilespmem:s28], [sflag:$0x2] =	stream.indirect_vreg.gather [hbm4b:s3+s2], $0x80, v2, vm0, $0xb8;
	[tilespmem:$0x1C080] =	vst v63  }
0x259: {  	s20 =	simm.s32 $0x8880  }
0x25a: {  	[tilespmem:s20], [sflag:$0x2] =	stream.indirect_vreg.gather [hbm4b:s4+s2], $0x80, v2, vm0, $0xb8;
	[tilespmem:$0x1C080] =	vst v63  }
0x25b: {  	s20 =	simm.s32 $0x9080  }
0x25c: {  	[tilespmem:s20], [sflag:$0x2] =	stream.indirect_vreg.gather [hbm4b:s5+s2], $0x80, v2, vm0, $0xb8;
	[tilespmem:$0x1C080] =	vst v63  }
0x25d: {  	s20 =	simm.s32 $0x9880  }
0x25e: {  	[tilespmem:s20], [sflag:$0x2] =	stream.indirect_vreg.gather [hbm4b:s6+s2], $0x80, v2, vm0, $0xb8;
	[tilespmem:$0x1C080] =	vst v63  }
0x25f: {  	s20 =	simm.s32 $0xA080  }
0x260: {  	[tilespmem:s20], [sflag:$0x2] =	stream.indirect_vreg.gather [hbm4b:s7+s2], $0x80, v2, vm0, $0xb8;
	[tilespmem:$0x1C080] =	vst v63  }
0x261: {  	s20 =	simm.s32 $0xA880  }
0x262: {  	[tilespmem:s20], [sflag:$0x2] =	stream.indirect_vreg.gather [hbm4b:s8+s2], $0x80, v2, vm0, $0xb8;
	[tilespmem:$0x1C080] =	vst v63  }
0x263: {  	s20 =	simm.s32 $0xB080  }
0x264: {  	[tilespmem:s20], [sflag:$0x2] =	stream.indirect_vreg.gather [hbm4b:s9+s2], $0x80, v2, vm0, $0xb8;
	[tilespmem:$0x1C080] =	vst v63  }
0x265: {  	s20 =	simm.s32 $0xB880  }
0x266: {  	[tilespmem:s20], [sflag:$0x2] =	stream.indirect_vreg.gather [hbm4b:s10+s2], $0x80, v2, vm0, $0xb8;
	[tilespmem:$0x1C080] =	vst v63  }
0x267: {  	s20 =	simm.s32 $0xC080  }
0x268: {  	[tilespmem:s20], [sflag:$0x2] =	stream.indirect_vreg.gather [hbm4b:s11+s2], $0x80, v2, vm0, $0xb8;
	[tilespmem:$0x1C080] =	vst v63  }
0x269: {  	s20 =	simm.s32 $0xC880  }
0x26a: {  	[tilespmem:s20], [sflag:$0x2] =	stream.indirect_vreg.gather [hbm4b:s12+s2], $0x80, v2, vm0, $0xb8;
	[tilespmem:$0x1C080] =	vst v63  }
0x26b: {  	s20 =	simm.s32 $0xD080  }
0x26c: {  	[tilespmem:s20], [sflag:$0x2] =	stream.indirect_vreg.gather [hbm4b:s13+s2], $0x80, v2, vm0, $0xb8;
	[tilespmem:$0x1C080] =	vst v63  }
0x26d: {  	s20 =	simm.s32 $0xD880  }
0x26e: {  	[tilespmem:s20], [sflag:$0x2] =	stream.indirect_vreg.gather [hbm4b:s14+s2], $0x80, v2, vm0, $0xb8;
	[tilespmem:$0x1C080] =	vst v63  }
0x26f: {  	s20 =	simm.s32 $0xE080  }
0x270: {  	[tilespmem:s20], [sflag:$0x2] =	stream.indirect_vreg.gather [hbm4b:s15+s2], $0x80, v2, vm0, $0xb8;
	[tilespmem:$0x1C080] =	vst v63  }
0x271: {  	s20 =	simm.s32 $0xE880  }
0x272: {  	[tilespmem:s20], [sflag:$0x2] =	stream.indirect_vreg.gather [hbm4b:s16+s2], $0x80, v2, vm0, $0xb8;
	[tilespmem:$0x1C080] =	vst v63  }
0x273: {  	s20 =	simm.s32 $0xF080  }
0x274: {  	[tilespmem:s20], [sflag:$0x2] =	stream.indirect_vreg.gather [hbm4b:s17+s2], $0x80, v2, vm0, $0xb8;
	[tilespmem:$0x1C080] =	vst v63  }
0x275: {  	s20 =	simm.s32 $0xF880  }
0x276: {  	[tilespmem:s20], [sflag:$0x2] =	stream.indirect_vreg.gather [hbm4b:s18+s2], $0x80, v2, vm0, $0xb8;
	[tilespmem:$0x1C080] =	vst v63  }
0x277: {  	_ =	swait.ge [sflag:s1], $0x8000  }
0x278: {  	[sflag:s1] =	ssyncset.done $0x0  }
0x279: {  	s20 =	rddreg [dreg:$0x11];
	[sflag:s1] =	ssyncadd.s32 $0xFFFF8000  }
0x27a: {  	[hbm4b:s20+s2] =	stream.linear.scatter [tilespmem:s21], [sflag:$0x6], $0x8000, $0x38;
	[tilespmem:$0x1C080] =	vst v63  }
0x27b: {  	_ =	swait.ge [sflag:s22], $0x8000  }
0x27c: {  	[sflag:s22] =	ssyncset.done $0x0  }
0x27d: {  	[sflag:s22] =	ssyncadd.s32 $0xFFFF8000  }
0x27e: {  	v2 =	vld.msk [tilespmem:$0x70], $0xff;
	_ =	sdelay $0x4  }
0x27f: {  	v3 =	vshll.u32 v2, $0x5  }
0x280: {  	v2 =	vand.u32 $0x7, v2;
	v3 =	vand.u32 $0xFFFFFF00, v3  }
0x281: {  	v2 =	vor.u32 v2, v3  }
0x282: {  	v2 =	vperm.xlane v2, v0;
	_ =	sdelay $0x1  }
0x283: {  	v2 =	vadd.s32 v1, v2;
	_ =	sdelay $0x4  }
0x284: {  	[tilespmem:s21], [sflag:$0x3] =	stream.indirect_vreg.gather [hbm4b:s3+s2], $0x80, v2, vm0, $0xb8;
	[tilespmem:$0x1C080] =	vst v63  }
0x285: {  	s23 =	simm.s32 $0x10880  }
0x286: {  	[tilespmem:s23], [sflag:$0x3] =	stream.indirect_vreg.gather [hbm4b:s4+s2], $0x80, v2, vm0, $0xb8;
	[tilespmem:$0x1C080] =	vst v63  }
0x287: {  	s25 =	simm.s32 $0x11080  }
0x288: {  	[tilespmem:s25], [sflag:$0x3] =	stream.indirect_vreg.gather [hbm4b:s5+s2], $0x80, v2, vm0, $0xb8;
	[tilespmem:$0x1C080] =	vst v63  }
0x289: {  	s26 =	simm.s32 $0x11880  }
0x28a: {  	[tilespmem:s26], [sflag:$0x3] =	stream.indirect_vreg.gather [hbm4b:s6+s2], $0x80, v2, vm0, $0xb8;
	[tilespmem:$0x1C080] =	vst v63  }
0x28b: {  	s26 =	simm.s32 $0x12080  }
0x28c: {  	[tilespmem:s26], [sflag:$0x3] =	stream.indirect_vreg.gather [hbm4b:s7+s2], $0x80, v2, vm0, $0xb8;
	[tilespmem:$0x1C080] =	vst v63  }
0x28d: {  	s23 =	simm.s32 $0x12880  }
0x28e: {  	[tilespmem:s23], [sflag:$0x3] =	stream.indirect_vreg.gather [hbm4b:s8+s2], $0x80, v2, vm0, $0xb8;
	[tilespmem:$0x1C080] =	vst v63  }
0x28f: {  	s25 =	simm.s32 $0x13080  }
0x290: {  	[tilespmem:s25], [sflag:$0x3] =	stream.indirect_vreg.gather [hbm4b:s9+s2], $0x80, v2, vm0, $0xb8;
	[tilespmem:$0x1C080] =	vst v63  }
0x291: {  	s26 =	simm.s32 $0x13880  }
0x292: {  	[tilespmem:s26], [sflag:$0x3] =	stream.indirect_vreg.gather [hbm4b:s10+s2], $0x80, v2, vm0, $0xb8;
	[tilespmem:$0x1C080] =	vst v63  }
0x293: {  	s23 =	simm.s32 $0x14080  }
0x294: {  	[tilespmem:s23], [sflag:$0x3] =	stream.indirect_vreg.gather [hbm4b:s11+s2], $0x80, v2, vm0, $0xb8;
	[tilespmem:$0x1C080] =	vst v63  }
0x295: {  	s25 =	simm.s32 $0x14880  }
0x296: {  	[tilespmem:s25], [sflag:$0x3] =	stream.indirect_vreg.gather [hbm4b:s12+s2], $0x80, v2, vm0, $0xb8;
	[tilespmem:$0x1C080] =	vst v63  }
0x297: {  	s26 =	simm.s32 $0x15080  }
0x298: {  	[tilespmem:s26], [sflag:$0x3] =	stream.indirect_vreg.gather [hbm4b:s13+s2], $0x80, v2, vm0, $0xb8;
	[tilespmem:$0x1C080] =	vst v63  }
0x299: {  	s23 =	simm.s32 $0x15880  }
0x29a: {  	[tilespmem:s23], [sflag:$0x3] =	stream.indirect_vreg.gather [hbm4b:s14+s2], $0x80, v2, vm0, $0xb8;
	[tilespmem:$0x1C080] =	vst v63  }
0x29b: {  	s25 =	simm.s32 $0x16080  }
0x29c: {  	[tilespmem:s25], [sflag:$0x3] =	stream.indirect_vreg.gather [hbm4b:s15+s2], $0x80, v2, vm0, $0xb8;
	[tilespmem:$0x1C080] =	vst v63  }
0x29d: {  	s26 =	simm.s32 $0x16880  }
0x29e: {  	[tilespmem:s26], [sflag:$0x3] =	stream.indirect_vreg.gather [hbm4b:s16+s2], $0x80, v2, vm0, $0xb8;
	[tilespmem:$0x1C080] =	vst v63  }
0x29f: {  	s23 =	simm.s32 $0x17080  }
0x2a0: {  	[tilespmem:s23], [sflag:$0x3] =	stream.indirect_vreg.gather [hbm4b:s17+s2], $0x80, v2, vm0, $0xb8;
	[tilespmem:$0x1C080] =	vst v63  }
0x2a1: {  	s25 =	simm.s32 $0x17880  }
0x2a2: {  	[tilespmem:s25], [sflag:$0x3] =	stream.indirect_vreg.gather [hbm4b:s18+s2], $0x80, v2, vm0, $0xb8;
	[tilespmem:$0x1C080] =	vst v63  }
0x2a3: {  	_ =	swait.ge [sflag:s29], $0x8000  }
0x2a4: {  	[sflag:s29] =	ssyncset.done $0x0  }
0x2a5: {  	s26 =	rddreg [dreg:$0x12];
	[sflag:s29] =	ssyncadd.s32 $0xFFFF8000  }
0x2a6: {  	[hbm4b:s26+s2] =	stream.linear.scatter [tilespmem:s24], [sflag:$0x4], $0x8000, $0x38;
	[tilespmem:$0x1C080] =	vst v63  }
0x2a7: {  	_ =	swait.ge [sflag:s30], $0x8000  }
0x2a8: {  	[sflag:s30] =	ssyncset.done $0x0  }
0x2a9: {  	[sflag:s30] =	ssyncadd.s32 $0xFFFF8000  }
0x2aa: {  	v2 =	vld.msk [tilespmem:$0x78], $0xff;
	_ =	sdelay $0x4  }
0x2ab: {  	v3 =	vshll.u32 v2, $0x5  }
0x2ac: {  	v2 =	vand.u32 $0x7, v2;
	v3 =	vand.u32 $0xFFFFFF00, v3  }
0x2ad: {  	v2 =	vor.u32 v2, v3  }
0x2ae: {  	v2 =	vperm.xlane v2, v0;
	_ =	sdelay $0x1  }
0x2af: {  	v2 =	vadd.s32 v1, v2;
	_ =	sdelay $0x4  }
0x2b0: {  	[tilespmem:s24], [sflag:$0x1] =	stream.indirect_vreg.gather [hbm4b:s3+s2], $0x80, v2, vm0, $0xb8;
	[tilespmem:$0x1C080] =	vst v63  }
0x2b1: {  	s23 =	simm.s32 $0x880  }
0x2b2: {  	[tilespmem:s23], [sflag:$0x1] =	stream.indirect_vreg.gather [hbm4b:s4+s2], $0x80, v2, vm0, $0xb8;
	[tilespmem:$0x1C080] =	vst v63  }
0x2b3: {  	s25 =	simm.s32 $0x1080  }
0x2b4: {  	[tilespmem:s25], [sflag:$0x1] =	stream.indirect_vreg.gather [hbm4b:s5+s2], $0x80, v2, vm0, $0xb8;
	[tilespmem:$0x1C080] =	vst v63  }
0x2b5: {  	s26 =	simm.s32 $0x1880  }
0x2b6: {  	[tilespmem:s26], [sflag:$0x1] =	stream.indirect_vreg.gather [hbm4b:s6+s2], $0x80, v2, vm0, $0xb8;
	[tilespmem:$0x1C080] =	vst v63  }
0x2b7: {  	s23 =	simm.s32 $0x2080  }
0x2b8: {  	[tilespmem:s23], [sflag:$0x1] =	stream.indirect_vreg.gather [hbm4b:s7+s2], $0x80, v2, vm0, $0xb8;
	[tilespmem:$0x1C080] =	vst v63  }
0x2b9: {  	s25 =	simm.s32 $0x2880  }
0x2ba: {  	[tilespmem:s25], [sflag:$0x1] =	stream.indirect_vreg.gather [hbm4b:s8+s2], $0x80, v2, vm0, $0xb8;
	[tilespmem:$0x1C080] =	vst v63  }
0x2bb: {  	s26 =	simm.s32 $0x3080  }
0x2bc: {  	[tilespmem:s26], [sflag:$0x1] =	stream.indirect_vreg.gather [hbm4b:s9+s2], $0x80, v2, vm0, $0xb8;
	[tilespmem:$0x1C080] =	vst v63  }
0x2bd: {  	s23 =	simm.s32 $0x3880  }
0x2be: {  	[tilespmem:s23], [sflag:$0x1] =	stream.indirect_vreg.gather [hbm4b:s10+s2], $0x80, v2, vm0, $0xb8;
	[tilespmem:$0x1C080] =	vst v63  }
0x2bf: {  	s25 =	simm.s32 $0x4080  }
0x2c0: {  	[tilespmem:s25], [sflag:$0x1] =	stream.indirect_vreg.gather [hbm4b:s11+s2], $0x80, v2, vm0, $0xb8;
	[tilespmem:$0x1C080] =	vst v63  }
0x2c1: {  	s26 =	simm.s32 $0x4880  }
0x2c2: {  	[tilespmem:s26], [sflag:$0x1] =	stream.indirect_vreg.gather [hbm4b:s12+s2], $0x80, v2, vm0, $0xb8;
	[tilespmem:$0x1C080] =	vst v63  }
0x2c3: {  	s23 =	simm.s32 $0x5080  }
0x2c4: {  	[tilespmem:s23], [sflag:$0x1] =	stream.indirect_vreg.gather [hbm4b:s13+s2], $0x80, v2, vm0, $0xb8;
	[tilespmem:$0x1C080] =	vst v63  }
0x2c5: {  	s25 =	simm.s32 $0x5880  }
0x2c6: {  	[tilespmem:s25], [sflag:$0x1] =	stream.indirect_vreg.gather [hbm4b:s14+s2], $0x80, v2, vm0, $0xb8;
	[tilespmem:$0x1C080] =	vst v63  }
0x2c7: {  	s26 =	simm.s32 $0x6080  }
0x2c8: {  	[tilespmem:s26], [sflag:$0x1] =	stream.indirect_vreg.gather [hbm4b:s15+s2], $0x80, v2, vm0, $0xb8;
	[tilespmem:$0x1C080] =	vst v63  }
0x2c9: {  	s23 =	simm.s32 $0x6880  }
0x2ca: {  	[tilespmem:s23], [sflag:$0x1] =	stream.indirect_vreg.gather [hbm4b:s16+s2], $0x80, v2, vm0, $0xb8;
	[tilespmem:$0x1C080] =	vst v63  }
0x2cb: {  	s25 =	simm.s32 $0x7080  }
0x2cc: {  	[tilespmem:s25], [sflag:$0x1] =	stream.indirect_vreg.gather [hbm4b:s17+s2], $0x80, v2, vm0, $0xb8;
	[tilespmem:$0x1C080] =	vst v63  }
0x2cd: {  	s26 =	simm.s32 $0x7880  }
0x2ce: {  	[tilespmem:s26], [sflag:$0x1] =	stream.indirect_vreg.gather [hbm4b:s18+s2], $0x80, v2, vm0, $0xb8;
	[tilespmem:$0x1C080] =	vst v63  }
0x2cf: {  	_ =	swait.ge [sflag:s31], $0x8000  }
0x2d0: {  	[sflag:s31] =	ssyncset.done $0x0  }
0x2d1: {  	s23 =	rddreg [dreg:$0x13];
	[sflag:s31] =	ssyncadd.s32 $0xFFFF8000  }
0x2d2: {  	[hbm4b:s23+s2] =	stream.linear.scatter [tilespmem:s28], [sflag:$0x5], $0x8000, $0x38;
	[tilespmem:$0x1C080] =	vst v63  }
0x2d3: {  	_ =	swait.ge [sflag:s1], $0x8000  }
0x2d4: {  	[sflag:s1] =	ssyncset.done $0x0  }
0x2d5: {  	s25 =	rddreg [dreg:$0x14];
	[sflag:s1] =	ssyncadd.s32 $0xFFFF8000  }
0x2d6: {  	[hbm4b:s25+s2] =	stream.linear.scatter [tilespmem:s21], [sflag:$0x6], $0x8000, $0x38;
	[tilespmem:$0x1C080] =	vst v63  }
0x2d7: {  	_ =	swait.ge [sflag:s29], $0x8000  }
0x2d8: {  	[sflag:s29] =	ssyncset.done $0x0  }
0x2d9: {  	s26 =	rddreg [dreg:$0x15];
	[sflag:s29] =	ssyncadd.s32 $0xFFFF8000  }
0x2da: {  	[hbm4b:s26+s2] =	stream.linear.scatter [tilespmem:s24], [sflag:$0x4], $0x8000, $0x38;
	[tilespmem:$0x1C080] =	vst v63  }
0x2db: {  	_ =	swait.ge [sflag:s0], $0x8000  }
0x2dc: {  	[sflag:s0] =	ssyncset.done $0x0  }
0x2dd: {  	[sflag:s0] =	ssyncadd.s32 $0xFFFF8000  }
0x2de: {  	_ =	swait.ge [sflag:s22], $0x8000  }
0x2df: {  	[sflag:s22] =	ssyncset.done $0x0  }
0x2e0: {  	[sflag:s22] =	ssyncadd.s32 $0xFFFF8000  }
0x2e1: {  	_ =	swait.ge [sflag:s30], $0x8000  }
0x2e2: {  	[sflag:s30] =	ssyncset.done $0x0  }
0x2e3: {  	s20 =	simm.s32 $0x7;
	[sflag:s30] =	ssyncadd.s32 $0xFFFF8000  }
0x2e4: {  	_ =	swait.ge [sflag:s20], $0x4000  }
0x2e5: {  	p0 =	sne.s32 s19, $0x1;
	[sflag:s20] =	ssyncset.done $0x0  }
0x2e6: {  	s26 =	simm.s32 $0x18080;
	s25 =	rddreg [dreg:$0x16];
	[sflag:s20] =	ssyncadd.s32 $0xFFFFC000  }
0x2e7: {  	[hbm4b:s25+s2] =	stream.linear.scatter [tilespmem:s26], [sflag:$0x8], $0x4000, $0x38;
	[tilespmem:$0x1C080] =	vst v63  }
.Ltmp0:
0x2e8: {  	_ = 	snop;
	(pc) =	sbr.rel @p0 .LBB2_1-.Ltmp0, $4  }
0x2e9: {  	s25 =	simm.s32 $0x8  }
0x2ea: {  	_ =	swait.ge [sflag:s25], $0x4000  }
0x2eb: {  	s26 =	simm.s32 $0x8;
	[sflag:s25] =	ssyncset.done $0x0  }
0x2ec: {  	s19 =	sadd.s32 $0xFFFFFFFF, s19;
	[sflag:s26] =	ssyncadd.s32 $0xFFFFC000  }
0x2ed: {  	_ =	sfence.sel $0x180000  }
0x2ee: {  	[bflag:$0x0] =	sbarrier.arrive $0xFFFF  }
0x2ef: {  	_ =	strace $0x90000047  }
0x2f0: {  	s0 =	stileid.u32;
	[bflag:$0x2] =	sbarrier.arrive $0xFFFF  }
0x2f1: {  	p0 =	sne.s32 s0, $0x0;
	s0 =	rddreg [dreg:$0x3]  }
0x2f2: {  	s0 =	sadd.s32 @!p0 $0x100000, s0  }
0x2f3: {  	[sflag:s0] =	ssyncadd.tile.s32 @!p0 $0x1;
	_ =	shalt  }
.Lfunc_end2:
_tile_overlayer_lowered:
.L_overlay_start_2:
0x2f4: {  	(tag) =	ssettag $0x2  }
0x2f5: {  	s0 =	rddreg [dreg:$0x0];
	s2 =	stileid.u32  }
0x2f6: {  	s1 =	rddreg [dreg:$0x1];
	p0 =	sne.s32 s2, $0x0  }
0x2f7: {  	s3 =	rddreg [dreg:$0x2];
	[bflag:$0x3] =	sbarrier.arrive $0xFFFF;
	s2 =	simm.s32 @!p0 $0x1C08  }
0x2f8: {  	[timem:s3], [sflag:s2] =	dma.local @!p0 [hbm:s0], s1  }
0x2f9: {  	s0 =	simm.s32 @!p0 $0x8  }
0x2fa: {  	_ =	swait.ge @!p0 [sflag:s0], s1  }
0x2fb: {  	s1 =	ssub.s32 @!p0 $0x0, s1;
	[sflag:s0] =	ssyncset.done @!p0 $0x0  }
0x2fc: {  	[sflag:s0] =	ssyncadd.s32 @!p0 s1  }
0x2fd: {  	[bflag:$0x3] =	sbarrier.arrive $0xFFFF  }
0x2fe: {  	_ =	shalt  }

</sc_bundles>
